<compile_context>
chip_gen: v7x
topology: tpu7x:2x2x1
jax: 0.10.2.dev20260603
libtpu: 0.0.44.dev20260713+nightly
codegen_flags: <defaults>
</compile_context>

<pallas_src>
import functools

import jax
import jax.numpy as jnp
from jax import lax
from jax.experimental import pallas as pl
from jax.experimental.pallas import tpu as pltpu
from jax.experimental.pallas import tpu_sc as plsc

HIST_ROWS = 10
NUM_WORKERS = 16
LANES = 16
IDX_CHUNK = 128

SC_ROWS = 1024
TC_BLOCK = 1024
CP_BLOCK = 512


def _build_sc_kernel(n_rows, d, row0, sc_rows):
    rows_per_w = sc_rows // NUM_WORKERS
    chunk = min(IDX_CHUNK, rows_per_w)
    n_chunks = rows_per_w // chunk
    mesh = plsc.VectorSubcoreMesh(core_axis_name="c", subcore_axis_name="s",
                                  num_cores=1)

    @functools.partial(
        pl.kernel,
        mesh=mesh,
        out_type=jax.ShapeDtypeStruct((sc_rows, d), jnp.float32),
        scratch_types=[
            pltpu.VMEM((rows_per_w, d), jnp.float32),
            pltpu.VMEM((HIST_ROWS, n_chunks, chunk), jnp.int32),
            pltpu.SemaphoreType.DMA,
        ],
    )
    def sc_sum(ap_hbm, hist_hbm, out_hbm, acc, idx, sem):
        wid = lax.axis_index("s") + lax.axis_index("c")
        base = wid * rows_per_w

        iota = lax.iota(jnp.int32, LANES)
        for r in range(HIST_ROWS):
            for j in range(n_chunks):
                for l in range(chunk // LANES):
                    off = r * n_rows + row0 + j * chunk + l * LANES
                    idx[r, j, pl.ds(l * LANES, LANES)] = iota + (base + off)

        pltpu.sync_copy(ap_hbm.at[pl.ds(row0 + base, rows_per_w)], acc)

        copies = []
        for r in range(HIST_ROWS):
            for j in range(n_chunks):
                copies.append(
                    pltpu.async_copy(
                        hist_hbm.at[idx.at[r, j]],
                        acc.at[pl.ds(j * chunk, chunk)],
                        sem,
                        add=True,
                    )
                )
        for cp in copies:
            cp.wait()

        pltpu.sync_copy(acc, out_hbm.at[pl.ds(base, rows_per_w)])

    return sc_sum


def _tc_body(ap_ref, hist_ref, out_ref):
    out_ref[...] = ap_ref[...] + jnp.sum(hist_ref[...], axis=0)


def _tc_sum(ap, hist, n_rows, d, tc_rows):
    grid = (tc_rows // TC_BLOCK,)
    return pl.pallas_call(
        _tc_body,
        grid=grid,
        in_specs=[
            pl.BlockSpec((TC_BLOCK, d), lambda i: (i, 0)),
            pl.BlockSpec((HIST_ROWS, TC_BLOCK, d), lambda i: (0, i, 0)),
        ],
        out_specs=pl.BlockSpec((TC_BLOCK, d), lambda i: (i, 0)),
        out_shape=jax.ShapeDtypeStruct((n_rows, d), jnp.float32),
    )(ap, hist)


def _merge_body(tc_ref, sc_ref, out_ref):
    out_ref[...] = sc_ref[...]


def _merge(tc_full, sc_out, n_rows, d, row0):
    grid = ((n_rows - row0) // CP_BLOCK,)
    return pl.pallas_call(
        _merge_body,
        grid=grid,
        in_specs=[
            pl.BlockSpec((8, d), lambda i: (0, 0)),
            pl.BlockSpec((CP_BLOCK, d), lambda i: (i, 0)),
        ],
        out_specs=pl.BlockSpec((CP_BLOCK, d), lambda i: (row0 // CP_BLOCK + i, 0)),
        out_shape=jax.ShapeDtypeStruct((n_rows, d), jnp.float32),
        input_output_aliases={0: 0},
    )(tc_full, sc_out)


@jax.jit
def kernel(action_potential, action_potential_history):
    n_rows, d = action_potential.shape
    tc_rows = n_rows - SC_ROWS
    hist2d = action_potential_history.reshape(-1, d)
    sc_out = _build_sc_kernel(n_rows, d, tc_rows, SC_ROWS)(
        action_potential, hist2d
    )
    tc_full = _tc_sum(action_potential, action_potential_history, n_rows, d,
                      tc_rows)
    return _merge(tc_full, sc_out, n_rows, d, tc_rows)

# --- scband reference (transcript-rebuilt; emitter-appended) ---
"""Pipeline reference for scband-limited-flat-response-function-39591008534621 (READ-ONLY COPY).

The authoritative reference and input builder live on the scoring server;
editing this copy changes nothing except your own understanding.
"""

import jax, jax.numpy as jnp
import numpy as np

# Constants derived from init_kwargs: duration=10.0, dt=1.0, shape=(16384, 128)
DT = 1.0
DURATION_STEPS = int(10.0 // DT)  # 10 (stored as int64 buffer in torch)
HIST_LEN = DURATION_STEPS + 1     # 11
SHAPE = (16384, 128)


def setup_inputs(seed: int = 0) -> dict:
    key = jax.random.key(seed)
    action_potential = jax.random.normal(key, SHAPE, dtype=jnp.float32)
    # Registered buffer, initialized to zeros at construction time
    action_potential_history = jnp.zeros((HIST_LEN,) + SHAPE, dtype=jnp.float32)
    return {
        "action_potential": action_potential,
        "action_potential_history": action_potential_history,
    }


def reference(action_potential, action_potential_history):
    # 1) prepend the new action potential to the history:
    #    torch.cat([action_potential.unsqueeze(0), history])  -> [HIST_LEN+1, *SHAPE]
    h = jnp.concatenate([action_potential[None, ...], action_potential_history], axis=0)
    # 2) scatter-overwrite zeros at row (duration + 1) along dim 0
    #    (torch: history.scatter(dim=0, index=duration+1, src=0))
    h = h.at[DURATION_STEPS + 1].set(0.0)
    # 3) drop the last (expired) row: history = history[:-1]  -> [HIST_LEN, *SHAPE]
    h = h[:-1]
    # 4) flat response: sum over the time axis
    return jnp.sum(h, axis=0)

if __name__ == "__main__":
    import jax
    _d = setup_inputs()
    print(jax.jit(kernel)(*tuple(_d.values())))

</pallas_src>

<mosaic_0001>
#map = affine_map<(d0, d1) -> (0, 0)>
module attributes {stable_mosaic.version = 14 : i64} {
  func.func @sc_sum(%arg0: i32, %arg1: i32, %arg2: memref<16384x128xf32, #tpu.memory_space<hbm>>, %arg3: memref<180224x128xf32, #tpu.memory_space<hbm>>, %arg4: memref<1024x128xf32, #tpu.memory_space<hbm>>, %arg5: memref<64x128xf32, #tpu.memory_space<vmem>>, %arg6: memref<10x1x64xi32, #tpu.memory_space<vmem>>, %arg7: memref<!tpu.dma_semaphore, #tpu.memory_space<semaphore_mem>>) attributes {dimension_semantics = [#tpu.dimension_semantics<core_parallel>, #tpu.dimension_semantics<subcore_parallel>], iteration_bounds = array<i64: 1, 16>, scalar_prefetch = 0 : i64, scratch_operands = 3 : i64, tpu.core_type = #tpu.core_type<sc_vector_subcore>, window_params = [{transform_indices = #map}, {transform_indices = #map}, {transform_indices = #map}]} {
    %add3A = arith.addi %arg1, %arg0 : i32
    %mul3A = arith.constant 64 : i32
    %mul3A_0 = arith.muli %add3A, %mul3A : i32
    %iota3A = tpu.iota {dimensions = array<i32: 0>} : vector<16xi32>
    %add3A_1 = arith.constant 15360 : i32
    %add3A_2 = arith.addi %mul3A_0, %add3A_1 : i32
    %add3A_3 = vector.broadcast %add3A_2 : i32 to vector<16xi32>
    %add3A_4 = arith.addi %iota3A, %add3A_3 : vector<16xi32>
    %swap3A = arith.constant 0 : i32
    %swap3A_5 = arith.constant 0 : i32
    %swap3A_6 = arith.index_cast %swap3A : i32 to index
    %swap3A_7 = arith.index_cast %swap3A_5 : i32 to index
    %swap3A_8 = arith.constant 0 : index
    %swap3A_9 = tpu.vector_load %arg6[%swap3A_6, %swap3A_7, %swap3A_8] {strides = array<i32>} : memref<10x1x64xi32, #tpu.memory_space<vmem>>, vector<1x1x16xi32>,
    %swap3A_10 = vector.shape_cast %swap3A_9 : vector<1x1x16xi32> to vector<16xi32>
    %swap3A_11 = vector.shape_cast %add3A_4 : vector<16xi32> to vector<1x1x16xi32>
    tpu.vector_store %arg6[%swap3A_6, %swap3A_7, %swap3A_8], %swap3A_11 {strides = array<i32>} : memref<10x1x64xi32, #tpu.memory_space<vmem>>, vector<1x1x16xi32>,
    %add3A_12 = arith.constant 15376 : i32
    %add3A_13 = arith.addi %mul3A_0, %add3A_12 : i32
    %add3A_14 = vector.broadcast %add3A_13 : i32 to vector<16xi32>
    %add3A_15 = arith.addi %iota3A, %add3A_14 : vector<16xi32>
    %swap3A_16 = arith.constant 0 : i32
    %swap3A_17 = arith.constant 0 : i32
    %swap3A_18 = arith.index_cast %swap3A_16 : i32 to index
    %swap3A_19 = arith.index_cast %swap3A_17 : i32 to index
    %swap3A_20 = arith.constant 16 : index
    %swap3A_21 = tpu.vector_load %arg6[%swap3A_18, %swap3A_19, %swap3A_20] {strides = array<i32>} : memref<10x1x64xi32, #tpu.memory_space<vmem>>, vector<1x1x16xi32>,
    %swap3A_22 = vector.shape_cast %swap3A_21 : vector<1x1x16xi32> to vector<16xi32>
    %swap3A_23 = vector.shape_cast %add3A_15 : vector<16xi32> to vector<1x1x16xi32>
    tpu.vector_store %arg6[%swap3A_18, %swap3A_19, %swap3A_20], %swap3A_23 {strides = array<i32>} : memref<10x1x64xi32, #tpu.memory_space<vmem>>, vector<1x1x16xi32>,
    %add3A_24 = arith.constant 15392 : i32
    %add3A_25 = arith.addi %mul3A_0, %add3A_24 : i32
    %add3A_26 = vector.broadcast %add3A_25 : i32 to vector<16xi32>
    %add3A_27 = arith.addi %iota3A, %add3A_26 : vector<16xi32>
    %swap3A_28 = arith.constant 0 : i32
    %swap3A_29 = arith.constant 0 : i32
    %swap3A_30 = arith.index_cast %swap3A_28 : i32 to index
    %swap3A_31 = arith.index_cast %swap3A_29 : i32 to index
    %swap3A_32 = arith.constant 32 : index
    %swap3A_33 = tpu.vector_load %arg6[%swap3A_30, %swap3A_31, %swap3A_32] {strides = array<i32>} : memref<10x1x64xi32, #tpu.memory_space<vmem>>, vector<1x1x16xi32>,
    %swap3A_34 = vector.shape_cast %swap3A_33 : vector<1x1x16xi32> to vector<16xi32>
    %swap3A_35 = vector.shape_cast %add3A_27 : vector<16xi32> to vector<1x1x16xi32>
    tpu.vector_store %arg6[%swap3A_30, %swap3A_31, %swap3A_32], %swap3A_35 {strides = array<i32>} : memref<10x1x64xi32, #tpu.memory_space<vmem>>, vector<1x1x16xi32>,
    %add3A_36 = arith.constant 15408 : i32
    %add3A_37 = arith.addi %mul3A_0, %add3A_36 : i32
    %add3A_38 = vector.broadcast %add3A_37 : i32 to vector<16xi32>
    %add3A_39 = arith.addi %iota3A, %add3A_38 : vector<16xi32>
    %swap3A_40 = arith.constant 0 : i32
    %swap3A_41 = arith.constant 0 : i32
    %swap3A_42 = arith.index_cast %swap3A_40 : i32 to index
    %swap3A_43 = arith.index_cast %swap3A_41 : i32 to index
    %swap3A_44 = arith.constant 48 : index
    %swap3A_45 = tpu.vector_load %arg6[%swap3A_42, %swap3A_43, %swap3A_44] {strides = array<i32>} : memref<10x1x64xi32, #tpu.memory_space<vmem>>, vector<1x1x16xi32>,
    %swap3A_46 = vector.shape_cast %swap3A_45 : vector<1x1x16xi32> to vector<16xi32>
    %swap3A_47 = vector.shape_cast %add3A_39 : vector<16xi32> to vector<1x1x16xi32>
    tpu.vector_store %arg6[%swap3A_42, %swap3A_43, %swap3A_44], %swap3A_47 {strides = array<i32>} : memref<10x1x64xi32, #tpu.memory_space<vmem>>, vector<1x1x16xi32>,
    %add3A_48 = arith.constant 31744 : i32
    %add3A_49 = arith.addi %mul3A_0, %add3A_48 : i32
    %add3A_50 = vector.broadcast %add3A_49 : i32 to vector<16xi32>
    %add3A_51 = arith.addi %iota3A, %add3A_50 : vector<16xi32>
    %swap3A_52 = arith.constant 1 : i32
    %swap3A_53 = arith.constant 0 : i32
    %swap3A_54 = arith.index_cast %swap3A_52 : i32 to index
    %swap3A_55 = arith.index_cast %swap3A_53 : i32 to index
    %swap3A_56 = arith.constant 0 : index
    %swap3A_57 = tpu.vector_load %arg6[%swap3A_54, %swap3A_55, %swap3A_56] {strides = array<i32>} : memref<10x1x64xi32, #tpu.memory_space<vmem>>, vector<1x1x16xi32>,
    %swap3A_58 = vector.shape_cast %swap3A_57 : vector<1x1x16xi32> to vector<16xi32>
    %swap3A_59 = vector.shape_cast %add3A_51 : vector<16xi32> to vector<1x1x16xi32>
    tpu.vector_store %arg6[%swap3A_54, %swap3A_55, %swap3A_56], %swap3A_59 {strides = array<i32>} : memref<10x1x64xi32, #tpu.memory_space<vmem>>, vector<1x1x16xi32>,
    %add3A_60 = arith.constant 31760 : i32
    %add3A_61 = arith.addi %mul3A_0, %add3A_60 : i32
    %add3A_62 = vector.broadcast %add3A_61 : i32 to vector<16xi32>
    %add3A_63 = arith.addi %iota3A, %add3A_62 : vector<16xi32>
    %swap3A_64 = arith.constant 1 : i32
    %swap3A_65 = arith.constant 0 : i32
    %swap3A_66 = arith.index_cast %swap3A_64 : i32 to index
    %swap3A_67 = arith.index_cast %swap3A_65 : i32 to index
    %swap3A_68 = arith.constant 16 : index
    %swap3A_69 = tpu.vector_load %arg6[%swap3A_66, %swap3A_67, %swap3A_68] {strides = array<i32>} : memref<10x1x64xi32, #tpu.memory_space<vmem>>, vector<1x1x16xi32>,
    %swap3A_70 = vector.shape_cast %swap3A_69 : vector<1x1x16xi32> to vector<16xi32>
    %swap3A_71 = vector.shape_cast %add3A_63 : vector<16xi32> to vector<1x1x16xi32>
    tpu.vector_store %arg6[%swap3A_66, %swap3A_67, %swap3A_68], %swap3A_71 {strides = array<i32>} : memref<10x1x64xi32, #tpu.memory_space<vmem>>, vector<1x1x16xi32>,
    %add3A_72 = arith.constant 31776 : i32
    %add3A_73 = arith.addi %mul3A_0, %add3A_72 : i32
    %add3A_74 = vector.broadcast %add3A_73 : i32 to vector<16xi32>
    %add3A_75 = arith.addi %iota3A, %add3A_74 : vector<16xi32>
    %swap3A_76 = arith.constant 1 : i32
    %swap3A_77 = arith.constant 0 : i32
    %swap3A_78 = arith.index_cast %swap3A_76 : i32 to index
    %swap3A_79 = arith.index_cast %swap3A_77 : i32 to index
    %swap3A_80 = arith.constant 32 : index
    %swap3A_81 = tpu.vector_load %arg6[%swap3A_78, %swap3A_79, %swap3A_80] {strides = array<i32>} : memref<10x1x64xi32, #tpu.memory_space<vmem>>, vector<1x1x16xi32>,
    %swap3A_82 = vector.shape_cast %swap3A_81 : vector<1x1x16xi32> to vector<16xi32>
    %swap3A_83 = vector.shape_cast %add3A_75 : vector<16xi32> to vector<1x1x16xi32>
    tpu.vector_store %arg6[%swap3A_78, %swap3A_79, %swap3A_80], %swap3A_83 {strides = array<i32>} : memref<10x1x64xi32, #tpu.memory_space<vmem>>, vector<1x1x16xi32>,
    %add3A_84 = arith.constant 31792 : i32
    %add3A_85 = arith.addi %mul3A_0, %add3A_84 : i32
    %add3A_86 = vector.broadcast %add3A_85 : i32 to vector<16xi32>
    %add3A_87 = arith.addi %iota3A, %add3A_86 : vector<16xi32>
    %swap3A_88 = arith.constant 1 : i32
    %swap3A_89 = arith.constant 0 : i32
    %swap3A_90 = arith.index_cast %swap3A_88 : i32 to index
    %swap3A_91 = arith.index_cast %swap3A_89 : i32 to index
    %swap3A_92 = arith.constant 48 : index
    %swap3A_93 = tpu.vector_load %arg6[%swap3A_90, %swap3A_91, %swap3A_92] {strides = array<i32>} : memref<10x1x64xi32, #tpu.memory_space<vmem>>, vector<1x1x16xi32>,
    %swap3A_94 = vector.shape_cast %swap3A_93 : vector<1x1x16xi32> to vector<16xi32>
    %swap3A_95 = vector.shape_cast %add3A_87 : vector<16xi32> to vector<1x1x16xi32>
    tpu.vector_store %arg6[%swap3A_90, %swap3A_91, %swap3A_92], %swap3A_95 {strides = array<i32>} : memref<10x1x64xi32, #tpu.memory_space<vmem>>, vector<1x1x16xi32>,
    %add3A_96 = arith.constant 48128 : i32
    %add3A_97 = arith.addi %mul3A_0, %add3A_96 : i32
    %add3A_98 = vector.broadcast %add3A_97 : i32 to vector<16xi32>
    %add3A_99 = arith.addi %iota3A, %add3A_98 : vector<16xi32>
    %swap3A_100 = arith.constant 2 : i32
    %swap3A_101 = arith.constant 0 : i32
    %swap3A_102 = arith.index_cast %swap3A_100 : i32 to index
    %swap3A_103 = arith.index_cast %swap3A_101 : i32 to index
    %swap3A_104 = arith.constant 0 : index
    %swap3A_105 = tpu.vector_load %arg6[%swap3A_102, %swap3A_103, %swap3A_104] {strides = array<i32>} : memref<10x1x64xi32, #tpu.memory_space<vmem>>, vector<1x1x16xi32>,
    %swap3A_106 = vector.shape_cast %swap3A_105 : vector<1x1x16xi32> to vector<16xi32>
    %swap3A_107 = vector.shape_cast %add3A_99 : vector<16xi32> to vector<1x1x16xi32>
    tpu.vector_store %arg6[%swap3A_102, %swap3A_103, %swap3A_104], %swap3A_107 {strides = array<i32>} : memref<10x1x64xi32, #tpu.memory_space<vmem>>, vector<1x1x16xi32>,
    %add3A_108 = arith.constant 48144 : i32
    %add3A_109 = arith.addi %mul3A_0, %add3A_108 : i32
    %add3A_110 = vector.broadcast %add3A_109 : i32 to vector<16xi32>
    %add3A_111 = arith.addi %iota3A, %add3A_110 : vector<16xi32>
    %swap3A_112 = arith.constant 2 : i32
    %swap3A_113 = arith.constant 0 : i32
    %swap3A_114 = arith.index_cast %swap3A_112 : i32 to index
    %swap3A_115 = arith.index_cast %swap3A_113 : i32 to index
    %swap3A_116 = arith.constant 16 : index
    %swap3A_117 = tpu.vector_load %arg6[%swap3A_114, %swap3A_115, %swap3A_116] {strides = array<i32>} : memref<10x1x64xi32, #tpu.memory_space<vmem>>, vector<1x1x16xi32>,
    %swap3A_118 = vector.shape_cast %swap3A_117 : vector<1x1x16xi32> to vector<16xi32>
    %swap3A_119 = vector.shape_cast %add3A_111 : vector<16xi32> to vector<1x1x16xi32>
    tpu.vector_store %arg6[%swap3A_114, %swap3A_115, %swap3A_116], %swap3A_119 {strides = array<i32>} : memref<10x1x64xi32, #tpu.memory_space<vmem>>, vector<1x1x16xi32>,
    %add3A_120 = arith.constant 48160 : i32
    %add3A_121 = arith.addi %mul3A_0, %add3A_120 : i32
    %add3A_122 = vector.broadcast %add3A_121 : i32 to vector<16xi32>
    %add3A_123 = arith.addi %iota3A, %add3A_122 : vector<16xi32>
    %swap3A_124 = arith.constant 2 : i32
    %swap3A_125 = arith.constant 0 : i32
    %swap3A_126 = arith.index_cast %swap3A_124 : i32 to index
    %swap3A_127 = arith.index_cast %swap3A_125 : i32 to index
    %swap3A_128 = arith.constant 32 : index
    %swap3A_129 = tpu.vector_load %arg6[%swap3A_126, %swap3A_127, %swap3A_128] {strides = array<i32>} : memref<10x1x64xi32, #tpu.memory_space<vmem>>, vector<1x1x16xi32>,
    %swap3A_130 = vector.shape_cast %swap3A_129 : vector<1x1x16xi32> to vector<16xi32>
    %swap3A_131 = vector.shape_cast %add3A_123 : vector<16xi32> to vector<1x1x16xi32>
    tpu.vector_store %arg6[%swap3A_126, %swap3A_127, %swap3A_128], %swap3A_131 {strides = array<i32>} : memref<10x1x64xi32, #tpu.memory_space<vmem>>, vector<1x1x16xi32>,
    %add3A_132 = arith.constant 48176 : i32
    %add3A_133 = arith.addi %mul3A_0, %add3A_132 : i32
    %add3A_134 = vector.broadcast %add3A_133 : i32 to vector<16xi32>
    %add3A_135 = arith.addi %iota3A, %add3A_134 : vector<16xi32>
    %swap3A_136 = arith.constant 2 : i32
    %swap3A_137 = arith.constant 0 : i32
    %swap3A_138 = arith.index_cast %swap3A_136 : i32 to index
    %swap3A_139 = arith.index_cast %swap3A_137 : i32 to index
    %swap3A_140 = arith.constant 48 : index
    %swap3A_141 = tpu.vector_load %arg6[%swap3A_138, %swap3A_139, %swap3A_140] {strides = array<i32>} : memref<10x1x64xi32, #tpu.memory_space<vmem>>, vector<1x1x16xi32>,
    %swap3A_142 = vector.shape_cast %swap3A_141 : vector<1x1x16xi32> to vector<16xi32>
    %swap3A_143 = vector.shape_cast %add3A_135 : vector<16xi32> to vector<1x1x16xi32>
    tpu.vector_store %arg6[%swap3A_138, %swap3A_139, %swap3A_140], %swap3A_143 {strides = array<i32>} : memref<10x1x64xi32, #tpu.memory_space<vmem>>, vector<1x1x16xi32>,
    %add3A_144 = arith.constant 64512 : i32
    %add3A_145 = arith.addi %mul3A_0, %add3A_144 : i32
    %add3A_146 = vector.broadcast %add3A_145 : i32 to vector<16xi32>
    %add3A_147 = arith.addi %iota3A, %add3A_146 : vector<16xi32>
    %swap3A_148 = arith.constant 3 : i32
    %swap3A_149 = arith.constant 0 : i32
    %swap3A_150 = arith.index_cast %swap3A_148 : i32 to index
    %swap3A_151 = arith.index_cast %swap3A_149 : i32 to index
    %swap3A_152 = arith.constant 0 : index
    %swap3A_153 = tpu.vector_load %arg6[%swap3A_150, %swap3A_151, %swap3A_152] {strides = array<i32>} : memref<10x1x64xi32, #tpu.memory_space<vmem>>, vector<1x1x16xi32>,
    %swap3A_154 = vector.shape_cast %swap3A_153 : vector<1x1x16xi32> to vector<16xi32>
    %swap3A_155 = vector.shape_cast %add3A_147 : vector<16xi32> to vector<1x1x16xi32>
    tpu.vector_store %arg6[%swap3A_150, %swap3A_151, %swap3A_152], %swap3A_155 {strides = array<i32>} : memref<10x1x64xi32, #tpu.memory_space<vmem>>, vector<1x1x16xi32>,
    %add3A_156 = arith.constant 64528 : i32
    %add3A_157 = arith.addi %mul3A_0, %add3A_156 : i32
    %add3A_158 = vector.broadcast %add3A_157 : i32 to vector<16xi32>
    %add3A_159 = arith.addi %iota3A, %add3A_158 : vector<16xi32>
    %swap3A_160 = arith.constant 3 : i32
    %swap3A_161 = arith.constant 0 : i32
    %swap3A_162 = arith.index_cast %swap3A_160 : i32 to index
    %swap3A_163 = arith.index_cast %swap3A_161 : i32 to index
    %swap3A_164 = arith.constant 16 : index
    %swap3A_165 = tpu.vector_load %arg6[%swap3A_162, %swap3A_163, %swap3A_164] {strides = array<i32>} : memref<10x1x64xi32, #tpu.memory_space<vmem>>, vector<1x1x16xi32>,
    %swap3A_166 = vector.shape_cast %swap3A_165 : vector<1x1x16xi32> to vector<16xi32>
    %swap3A_167 = vector.shape_cast %add3A_159 : vector<16xi32> to vector<1x1x16xi32>
    tpu.vector_store %arg6[%swap3A_162, %swap3A_163, %swap3A_164], %swap3A_167 {strides = array<i32>} : memref<10x1x64xi32, #tpu.memory_space<vmem>>, vector<1x1x16xi32>,
    %add3A_168 = arith.constant 64544 : i32
    %add3A_169 = arith.addi %mul3A_0, %add3A_168 : i32
    %add3A_170 = vector.broadcast %add3A_169 : i32 to vector<16xi32>
    %add3A_171 = arith.addi %iota3A, %add3A_170 : vector<16xi32>
    %swap3A_172 = arith.constant 3 : i32
    %swap3A_173 = arith.constant 0 : i32
    %swap3A_174 = arith.index_cast %swap3A_172 : i32 to index
    %swap3A_175 = arith.index_cast %swap3A_173 : i32 to index
    %swap3A_176 = arith.constant 32 : index
    %swap3A_177 = tpu.vector_load %arg6[%swap3A_174, %swap3A_175, %swap3A_176] {strides = array<i32>} : memref<10x1x64xi32, #tpu.memory_space<vmem>>, vector<1x1x16xi32>,
    %swap3A_178 = vector.shape_cast %swap3A_177 : vector<1x1x16xi32> to vector<16xi32>
    %swap3A_179 = vector.shape_cast %add3A_171 : vector<16xi32> to vector<1x1x16xi32>
    tpu.vector_store %arg6[%swap3A_174, %swap3A_175, %swap3A_176], %swap3A_179 {strides = array<i32>} : memref<10x1x64xi32, #tpu.memory_space<vmem>>, vector<1x1x16xi32>,
    %add3A_180 = arith.constant 64560 : i32
    %add3A_181 = arith.addi %mul3A_0, %add3A_180 : i32
    %add3A_182 = vector.broadcast %add3A_181 : i32 to vector<16xi32>
    %add3A_183 = arith.addi %iota3A, %add3A_182 : vector<16xi32>
    %swap3A_184 = arith.constant 3 : i32
    %swap3A_185 = arith.constant 0 : i32
    %swap3A_186 = arith.index_cast %swap3A_184 : i32 to index
    %swap3A_187 = arith.index_cast %swap3A_185 : i32 to index
    %swap3A_188 = arith.constant 48 : index
    %swap3A_189 = tpu.vector_load %arg6[%swap3A_186, %swap3A_187, %swap3A_188] {strides = array<i32>} : memref<10x1x64xi32, #tpu.memory_space<vmem>>, vector<1x1x16xi32>,
    %swap3A_190 = vector.shape_cast %swap3A_189 : vector<1x1x16xi32> to vector<16xi32>
    %swap3A_191 = vector.shape_cast %add3A_183 : vector<16xi32> to vector<1x1x16xi32>
    tpu.vector_store %arg6[%swap3A_186, %swap3A_187, %swap3A_188], %swap3A_191 {strides = array<i32>} : memref<10x1x64xi32, #tpu.memory_space<vmem>>, vector<1x1x16xi32>,
    %add3A_192 = arith.constant 80896 : i32
    %add3A_193 = arith.addi %mul3A_0, %add3A_192 : i32
    %add3A_194 = vector.broadcast %add3A_193 : i32 to vector<16xi32>
    %add3A_195 = arith.addi %iota3A, %add3A_194 : vector<16xi32>
    %swap3A_196 = arith.constant 4 : i32
    %swap3A_197 = arith.constant 0 : i32
    %swap3A_198 = arith.index_cast %swap3A_196 : i32 to index
    %swap3A_199 = arith.index_cast %swap3A_197 : i32 to index
    %swap3A_200 = arith.constant 0 : index
    %swap3A_201 = tpu.vector_load %arg6[%swap3A_198, %swap3A_199, %swap3A_200] {strides = array<i32>} : memref<10x1x64xi32, #tpu.memory_space<vmem>>, vector<1x1x16xi32>,
    %swap3A_202 = vector.shape_cast %swap3A_201 : vector<1x1x16xi32> to vector<16xi32>
    %swap3A_203 = vector.shape_cast %add3A_195 : vector<16xi32> to vector<1x1x16xi32>
    tpu.vector_store %arg6[%swap3A_198, %swap3A_199, %swap3A_200], %swap3A_203 {strides = array<i32>} : memref<10x1x64xi32, #tpu.memory_space<vmem>>, vector<1x1x16xi32>,
    %add3A_204 = arith.constant 80912 : i32
    %add3A_205 = arith.addi %mul3A_0, %add3A_204 : i32
    %add3A_206 = vector.broadcast %add3A_205 : i32 to vector<16xi32>
    %add3A_207 = arith.addi %iota3A, %add3A_206 : vector<16xi32>
    %swap3A_208 = arith.constant 4 : i32
    %swap3A_209 = arith.constant 0 : i32
    %swap3A_210 = arith.index_cast %swap3A_208 : i32 to index
    %swap3A_211 = arith.index_cast %swap3A_209 : i32 to index
    %swap3A_212 = arith.constant 16 : index
    %swap3A_213 = tpu.vector_load %arg6[%swap3A_210, %swap3A_211, %swap3A_212] {strides = array<i32>} : memref<10x1x64xi32, #tpu.memory_space<vmem>>, vector<1x1x16xi32>,
    %swap3A_214 = vector.shape_cast %swap3A_213 : vector<1x1x16xi32> to vector<16xi32>
    %swap3A_215 = vector.shape_cast %add3A_207 : vector<16xi32> to vector<1x1x16xi32>
    tpu.vector_store %arg6[%swap3A_210, %swap3A_211, %swap3A_212], %swap3A_215 {strides = array<i32>} : memref<10x1x64xi32, #tpu.memory_space<vmem>>, vector<1x1x16xi32>,
    %add3A_216 = arith.constant 80928 : i32
    %add3A_217 = arith.addi %mul3A_0, %add3A_216 : i32
    %add3A_218 = vector.broadcast %add3A_217 : i32 to vector<16xi32>
    %add3A_219 = arith.addi %iota3A, %add3A_218 : vector<16xi32>
    %swap3A_220 = arith.constant 4 : i32
    %swap3A_221 = arith.constant 0 : i32
    %swap3A_222 = arith.index_cast %swap3A_220 : i32 to index
    %swap3A_223 = arith.index_cast %swap3A_221 : i32 to index
    %swap3A_224 = arith.constant 32 : index
    %swap3A_225 = tpu.vector_load %arg6[%swap3A_222, %swap3A_223, %swap3A_224] {strides = array<i32>} : memref<10x1x64xi32, #tpu.memory_space<vmem>>, vector<1x1x16xi32>,
    %swap3A_226 = vector.shape_cast %swap3A_225 : vector<1x1x16xi32> to vector<16xi32>
    %swap3A_227 = vector.shape_cast %add3A_219 : vector<16xi32> to vector<1x1x16xi32>
    tpu.vector_store %arg6[%swap3A_222, %swap3A_223, %swap3A_224], %swap3A_227 {strides = array<i32>} : memref<10x1x64xi32, #tpu.memory_space<vmem>>, vector<1x1x16xi32>,
    %add3A_228 = arith.constant 80944 : i32
    %add3A_229 = arith.addi %mul3A_0, %add3A_228 : i32
    %add3A_230 = vector.broadcast %add3A_229 : i32 to vector<16xi32>
    %add3A_231 = arith.addi %iota3A, %add3A_230 : vector<16xi32>
    %swap3A_232 = arith.constant 4 : i32
    %swap3A_233 = arith.constant 0 : i32
    %swap3A_234 = arith.index_cast %swap3A_232 : i32 to index
    %swap3A_235 = arith.index_cast %swap3A_233 : i32 to index
    %swap3A_236 = arith.constant 48 : index
    %swap3A_237 = tpu.vector_load %arg6[%swap3A_234, %swap3A_235, %swap3A_236] {strides = array<i32>} : memref<10x1x64xi32, #tpu.memory_space<vmem>>, vector<1x1x16xi32>,
    %swap3A_238 = vector.shape_cast %swap3A_237 : vector<1x1x16xi32> to vector<16xi32>
    %swap3A_239 = vector.shape_cast %add3A_231 : vector<16xi32> to vector<1x1x16xi32>
    tpu.vector_store %arg6[%swap3A_234, %swap3A_235, %swap3A_236], %swap3A_239 {strides = array<i32>} : memref<10x1x64xi32, #tpu.memory_space<vmem>>, vector<1x1x16xi32>,
    %add3A_240 = arith.constant 97280 : i32
    %add3A_241 = arith.addi %mul3A_0, %add3A_240 : i32
    %add3A_242 = vector.broadcast %add3A_241 : i32 to vector<16xi32>
    %add3A_243 = arith.addi %iota3A, %add3A_242 : vector<16xi32>
    %swap3A_244 = arith.constant 5 : i32
    %swap3A_245 = arith.constant 0 : i32
    %swap3A_246 = arith.index_cast %swap3A_244 : i32 to index
    %swap3A_247 = arith.index_cast %swap3A_245 : i32 to index
    %swap3A_248 = arith.constant 0 : index
    %swap3A_249 = tpu.vector_load %arg6[%swap3A_246, %swap3A_247, %swap3A_248] {strides = array<i32>} : memref<10x1x64xi32, #tpu.memory_space<vmem>>, vector<1x1x16xi32>,
    %swap3A_250 = vector.shape_cast %swap3A_249 : vector<1x1x16xi32> to vector<16xi32>
    %swap3A_251 = vector.shape_cast %add3A_243 : vector<16xi32> to vector<1x1x16xi32>
    tpu.vector_store %arg6[%swap3A_246, %swap3A_247, %swap3A_248], %swap3A_251 {strides = array<i32>} : memref<10x1x64xi32, #tpu.memory_space<vmem>>, vector<1x1x16xi32>,
    %add3A_252 = arith.constant 97296 : i32
    %add3A_253 = arith.addi %mul3A_0, %add3A_252 : i32
    %add3A_254 = vector.broadcast %add3A_253 : i32 to vector<16xi32>
    %add3A_255 = arith.addi %iota3A, %add3A_254 : vector<16xi32>
    %swap3A_256 = arith.constant 5 : i32
    %swap3A_257 = arith.constant 0 : i32
    %swap3A_258 = arith.index_cast %swap3A_256 : i32 to index
    %swap3A_259 = arith.index_cast %swap3A_257 : i32 to index
    %swap3A_260 = arith.constant 16 : index
    %swap3A_261 = tpu.vector_load %arg6[%swap3A_258, %swap3A_259, %swap3A_260] {strides = array<i32>} : memref<10x1x64xi32, #tpu.memory_space<vmem>>, vector<1x1x16xi32>,
    %swap3A_262 = vector.shape_cast %swap3A_261 : vector<1x1x16xi32> to vector<16xi32>
    %swap3A_263 = vector.shape_cast %add3A_255 : vector<16xi32> to vector<1x1x16xi32>
    tpu.vector_store %arg6[%swap3A_258, %swap3A_259, %swap3A_260], %swap3A_263 {strides = array<i32>} : memref<10x1x64xi32, #tpu.memory_space<vmem>>, vector<1x1x16xi32>,
    %add3A_264 = arith.constant 97312 : i32
    %add3A_265 = arith.addi %mul3A_0, %add3A_264 : i32
    %add3A_266 = vector.broadcast %add3A_265 : i32 to vector<16xi32>
    %add3A_267 = arith.addi %iota3A, %add3A_266 : vector<16xi32>
    %swap3A_268 = arith.constant 5 : i32
    %swap3A_269 = arith.constant 0 : i32
    %swap3A_270 = arith.index_cast %swap3A_268 : i32 to index
    %swap3A_271 = arith.index_cast %swap3A_269 : i32 to index
    %swap3A_272 = arith.constant 32 : index
    %swap3A_273 = tpu.vector_load %arg6[%swap3A_270, %swap3A_271, %swap3A_272] {strides = array<i32>} : memref<10x1x64xi32, #tpu.memory_space<vmem>>, vector<1x1x16xi32>,
    %swap3A_274 = vector.shape_cast %swap3A_273 : vector<1x1x16xi32> to vector<16xi32>
    %swap3A_275 = vector.shape_cast %add3A_267 : vector<16xi32> to vector<1x1x16xi32>
    tpu.vector_store %arg6[%swap3A_270, %swap3A_271, %swap3A_272], %swap3A_275 {strides = array<i32>} : memref<10x1x64xi32, #tpu.memory_space<vmem>>, vector<1x1x16xi32>,
    %add3A_276 = arith.constant 97328 : i32
    %add3A_277 = arith.addi %mul3A_0, %add3A_276 : i32
    %add3A_278 = vector.broadcast %add3A_277 : i32 to vector<16xi32>
    %add3A_279 = arith.addi %iota3A, %add3A_278 : vector<16xi32>
    %swap3A_280 = arith.constant 5 : i32
    %swap3A_281 = arith.constant 0 : i32
    %swap3A_282 = arith.index_cast %swap3A_280 : i32 to index
    %swap3A_283 = arith.index_cast %swap3A_281 : i32 to index
    %swap3A_284 = arith.constant 48 : index
    %swap3A_285 = tpu.vector_load %arg6[%swap3A_282, %swap3A_283, %swap3A_284] {strides = array<i32>} : memref<10x1x64xi32, #tpu.memory_space<vmem>>, vector<1x1x16xi32>,
    %swap3A_286 = vector.shape_cast %swap3A_285 : vector<1x1x16xi32> to vector<16xi32>
    %swap3A_287 = vector.shape_cast %add3A_279 : vector<16xi32> to vector<1x1x16xi32>
    tpu.vector_store %arg6[%swap3A_282, %swap3A_283, %swap3A_284], %swap3A_287 {strides = array<i32>} : memref<10x1x64xi32, #tpu.memory_space<vmem>>, vector<1x1x16xi32>,
    %add3A_288 = arith.constant 113664 : i32
    %add3A_289 = arith.addi %mul3A_0, %add3A_288 : i32
    %add3A_290 = vector.broadcast %add3A_289 : i32 to vector<16xi32>
    %add3A_291 = arith.addi %iota3A, %add3A_290 : vector<16xi32>
    %swap3A_292 = arith.constant 6 : i32
    %swap3A_293 = arith.constant 0 : i32
    %swap3A_294 = arith.index_cast %swap3A_292 : i32 to index
    %swap3A_295 = arith.index_cast %swap3A_293 : i32 to index
    %swap3A_296 = arith.constant 0 : index
    %swap3A_297 = tpu.vector_load %arg6[%swap3A_294, %swap3A_295, %swap3A_296] {strides = array<i32>} : memref<10x1x64xi32, #tpu.memory_space<vmem>>, vector<1x1x16xi32>,
    %swap3A_298 = vector.shape_cast %swap3A_297 : vector<1x1x16xi32> to vector<16xi32>
    %swap3A_299 = vector.shape_cast %add3A_291 : vector<16xi32> to vector<1x1x16xi32>
    tpu.vector_store %arg6[%swap3A_294, %swap3A_295, %swap3A_296], %swap3A_299 {strides = array<i32>} : memref<10x1x64xi32, #tpu.memory_space<vmem>>, vector<1x1x16xi32>,
    %add3A_300 = arith.constant 113680 : i32
    %add3A_301 = arith.addi %mul3A_0, %add3A_300 : i32
    %add3A_302 = vector.broadcast %add3A_301 : i32 to vector<16xi32>
    %add3A_303 = arith.addi %iota3A, %add3A_302 : vector<16xi32>
    %swap3A_304 = arith.constant 6 : i32
    %swap3A_305 = arith.constant 0 : i32
    %swap3A_306 = arith.index_cast %swap3A_304 : i32 to index
    %swap3A_307 = arith.index_cast %swap3A_305 : i32 to index
    %swap3A_308 = arith.constant 16 : index
    %swap3A_309 = tpu.vector_load %arg6[%swap3A_306, %swap3A_307, %swap3A_308] {strides = array<i32>} : memref<10x1x64xi32, #tpu.memory_space<vmem>>, vector<1x1x16xi32>,
    %swap3A_310 = vector.shape_cast %swap3A_309 : vector<1x1x16xi32> to vector<16xi32>
    %swap3A_311 = vector.shape_cast %add3A_303 : vector<16xi32> to vector<1x1x16xi32>
    tpu.vector_store %arg6[%swap3A_306, %swap3A_307, %swap3A_308], %swap3A_311 {strides = array<i32>} : memref<10x1x64xi32, #tpu.memory_space<vmem>>, vector<1x1x16xi32>,
    %add3A_312 = arith.constant 113696 : i32
    %add3A_313 = arith.addi %mul3A_0, %add3A_312 : i32
    %add3A_314 = vector.broadcast %add3A_313 : i32 to vector<16xi32>
    %add3A_315 = arith.addi %iota3A, %add3A_314 : vector<16xi32>
    %swap3A_316 = arith.constant 6 : i32
    %swap3A_317 = arith.constant 0 : i32
    %swap3A_318 = arith.index_cast %swap3A_316 : i32 to index
    %swap3A_319 = arith.index_cast %swap3A_317 : i32 to index
    %swap3A_320 = arith.constant 32 : index
    %swap3A_321 = tpu.vector_load %arg6[%swap3A_318, %swap3A_319, %swap3A_320] {strides = array<i32>} : memref<10x1x64xi32, #tpu.memory_space<vmem>>, vector<1x1x16xi32>,
    %swap3A_322 = vector.shape_cast %swap3A_321 : vector<1x1x16xi32> to vector<16xi32>
    %swap3A_323 = vector.shape_cast %add3A_315 : vector<16xi32> to vector<1x1x16xi32>
    tpu.vector_store %arg6[%swap3A_318, %swap3A_319, %swap3A_320], %swap3A_323 {strides = array<i32>} : memref<10x1x64xi32, #tpu.memory_space<vmem>>, vector<1x1x16xi32>,
    %add3A_324 = arith.constant 113712 : i32
    %add3A_325 = arith.addi %mul3A_0, %add3A_324 : i32
    %add3A_326 = vector.broadcast %add3A_325 : i32 to vector<16xi32>
    %add3A_327 = arith.addi %iota3A, %add3A_326 : vector<16xi32>
    %swap3A_328 = arith.constant 6 : i32
    %swap3A_329 = arith.constant 0 : i32
    %swap3A_330 = arith.index_cast %swap3A_328 : i32 to index
    %swap3A_331 = arith.index_cast %swap3A_329 : i32 to index
    %swap3A_332 = arith.constant 48 : index
    %swap3A_333 = tpu.vector_load %arg6[%swap3A_330, %swap3A_331, %swap3A_332] {strides = array<i32>} : memref<10x1x64xi32, #tpu.memory_space<vmem>>, vector<1x1x16xi32>,
    %swap3A_334 = vector.shape_cast %swap3A_333 : vector<1x1x16xi32> to vector<16xi32>
    %swap3A_335 = vector.shape_cast %add3A_327 : vector<16xi32> to vector<1x1x16xi32>
    tpu.vector_store %arg6[%swap3A_330, %swap3A_331, %swap3A_332], %swap3A_335 {strides = array<i32>} : memref<10x1x64xi32, #tpu.memory_space<vmem>>, vector<1x1x16xi32>,
    %add3A_336 = arith.constant 130048 : i32
    %add3A_337 = arith.addi %mul3A_0, %add3A_336 : i32
    %add3A_338 = vector.broadcast %add3A_337 : i32 to vector<16xi32>
    %add3A_339 = arith.addi %iota3A, %add3A_338 : vector<16xi32>
    %swap3A_340 = arith.constant 7 : i32
    %swap3A_341 = arith.constant 0 : i32
    %swap3A_342 = arith.index_cast %swap3A_340 : i32 to index
    %swap3A_343 = arith.index_cast %swap3A_341 : i32 to index
    %swap3A_344 = arith.constant 0 : index
    %swap3A_345 = tpu.vector_load %arg6[%swap3A_342, %swap3A_343, %swap3A_344] {strides = array<i32>} : memref<10x1x64xi32, #tpu.memory_space<vmem>>, vector<1x1x16xi32>,
    %swap3A_346 = vector.shape_cast %swap3A_345 : vector<1x1x16xi32> to vector<16xi32>
    %swap3A_347 = vector.shape_cast %add3A_339 : vector<16xi32> to vector<1x1x16xi32>
    tpu.vector_store %arg6[%swap3A_342, %swap3A_343, %swap3A_344], %swap3A_347 {strides = array<i32>} : memref<10x1x64xi32, #tpu.memory_space<vmem>>, vector<1x1x16xi32>,
    %add3A_348 = arith.constant 130064 : i32
    %add3A_349 = arith.addi %mul3A_0, %add3A_348 : i32
    %add3A_350 = vector.broadcast %add3A_349 : i32 to vector<16xi32>
    %add3A_351 = arith.addi %iota3A, %add3A_350 : vector<16xi32>
    %swap3A_352 = arith.constant 7 : i32
    %swap3A_353 = arith.constant 0 : i32
    %swap3A_354 = arith.index_cast %swap3A_352 : i32 to index
    %swap3A_355 = arith.index_cast %swap3A_353 : i32 to index
    %swap3A_356 = arith.constant 16 : index
    %swap3A_357 = tpu.vector_load %arg6[%swap3A_354, %swap3A_355, %swap3A_356] {strides = array<i32>} : memref<10x1x64xi32, #tpu.memory_space<vmem>>, vector<1x1x16xi32>,
    %swap3A_358 = vector.shape_cast %swap3A_357 : vector<1x1x16xi32> to vector<16xi32>
    %swap3A_359 = vector.shape_cast %add3A_351 : vector<16xi32> to vector<1x1x16xi32>
    tpu.vector_store %arg6[%swap3A_354, %swap3A_355, %swap3A_356], %swap3A_359 {strides = array<i32>} : memref<10x1x64xi32, #tpu.memory_space<vmem>>, vector<1x1x16xi32>,
    %add3A_360 = arith.constant 130080 : i32
    %add3A_361 = arith.addi %mul3A_0, %add3A_360 : i32
    %add3A_362 = vector.broadcast %add3A_361 : i32 to vector<16xi32>
    %add3A_363 = arith.addi %iota3A, %add3A_362 : vector<16xi32>
    %swap3A_364 = arith.constant 7 : i32
    %swap3A_365 = arith.constant 0 : i32
    %swap3A_366 = arith.index_cast %swap3A_364 : i32 to index
    %swap3A_367 = arith.index_cast %swap3A_365 : i32 to index
    %swap3A_368 = arith.constant 32 : index
    %swap3A_369 = tpu.vector_load %arg6[%swap3A_366, %swap3A_367, %swap3A_368] {strides = array<i32>} : memref<10x1x64xi32, #tpu.memory_space<vmem>>, vector<1x1x16xi32>,
    %swap3A_370 = vector.shape_cast %swap3A_369 : vector<1x1x16xi32> to vector<16xi32>
    %swap3A_371 = vector.shape_cast %add3A_363 : vector<16xi32> to vector<1x1x16xi32>
    tpu.vector_store %arg6[%swap3A_366, %swap3A_367, %swap3A_368], %swap3A_371 {strides = array<i32>} : memref<10x1x64xi32, #tpu.memory_space<vmem>>, vector<1x1x16xi32>,
    %add3A_372 = arith.constant 130096 : i32
    %add3A_373 = arith.addi %mul3A_0, %add3A_372 : i32
    %add3A_374 = vector.broadcast %add3A_373 : i32 to vector<16xi32>
    %add3A_375 = arith.addi %iota3A, %add3A_374 : vector<16xi32>
    %swap3A_376 = arith.constant 7 : i32
    %swap3A_377 = arith.constant 0 : i32
    %swap3A_378 = arith.index_cast %swap3A_376 : i32 to index
    %swap3A_379 = arith.index_cast %swap3A_377 : i32 to index
    %swap3A_380 = arith.constant 48 : index
    %swap3A_381 = tpu.vector_load %arg6[%swap3A_378, %swap3A_379, %swap3A_380] {strides = array<i32>} : memref<10x1x64xi32, #tpu.memory_space<vmem>>, vector<1x1x16xi32>,
    %swap3A_382 = vector.shape_cast %swap3A_381 : vector<1x1x16xi32> to vector<16xi32>
    %swap3A_383 = vector.shape_cast %add3A_375 : vector<16xi32> to vector<1x1x16xi32>
    tpu.vector_store %arg6[%swap3A_378, %swap3A_379, %swap3A_380], %swap3A_383 {strides = array<i32>} : memref<10x1x64xi32, #tpu.memory_space<vmem>>, vector<1x1x16xi32>,
    %add3A_384 = arith.constant 146432 : i32
    %add3A_385 = arith.addi %mul3A_0, %add3A_384 : i32
    %add3A_386 = vector.broadcast %add3A_385 : i32 to vector<16xi32>
    %add3A_387 = arith.addi %iota3A, %add3A_386 : vector<16xi32>
    %swap3A_388 = arith.constant 8 : i32
    %swap3A_389 = arith.constant 0 : i32
    %swap3A_390 = arith.index_cast %swap3A_388 : i32 to index
    %swap3A_391 = arith.index_cast %swap3A_389 : i32 to index
    %swap3A_392 = arith.constant 0 : index
    %swap3A_393 = tpu.vector_load %arg6[%swap3A_390, %swap3A_391, %swap3A_392] {strides = array<i32>} : memref<10x1x64xi32, #tpu.memory_space<vmem>>, vector<1x1x16xi32>,
    %swap3A_394 = vector.shape_cast %swap3A_393 : vector<1x1x16xi32> to vector<16xi32>
    %swap3A_395 = vector.shape_cast %add3A_387 : vector<16xi32> to vector<1x1x16xi32>
    tpu.vector_store %arg6[%swap3A_390, %swap3A_391, %swap3A_392], %swap3A_395 {strides = array<i32>} : memref<10x1x64xi32, #tpu.memory_space<vmem>>, vector<1x1x16xi32>,
    %add3A_396 = arith.constant 146448 : i32
    %add3A_397 = arith.addi %mul3A_0, %add3A_396 : i32
    %add3A_398 = vector.broadcast %add3A_397 : i32 to vector<16xi32>
    %add3A_399 = arith.addi %iota3A, %add3A_398 : vector<16xi32>
    %swap3A_400 = arith.constant 8 : i32
    %swap3A_401 = arith.constant 0 : i32
    %swap3A_402 = arith.index_cast %swap3A_400 : i32 to index
    %swap3A_403 = arith.index_cast %swap3A_401 : i32 to index
    %swap3A_404 = arith.constant 16 : index
    %swap3A_405 = tpu.vector_load %arg6[%swap3A_402, %swap3A_403, %swap3A_404] {strides = array<i32>} : memref<10x1x64xi32, #tpu.memory_space<vmem>>, vector<1x1x16xi32>,
    %swap3A_406 = vector.shape_cast %swap3A_405 : vector<1x1x16xi32> to vector<16xi32>
    %swap3A_407 = vector.shape_cast %add3A_399 : vector<16xi32> to vector<1x1x16xi32>
    tpu.vector_store %arg6[%swap3A_402, %swap3A_403, %swap3A_404], %swap3A_407 {strides = array<i32>} : memref<10x1x64xi32, #tpu.memory_space<vmem>>, vector<1x1x16xi32>,
    %add3A_408 = arith.constant 146464 : i32
    %add3A_409 = arith.addi %mul3A_0, %add3A_408 : i32
    %add3A_410 = vector.broadcast %add3A_409 : i32 to vector<16xi32>
    %add3A_411 = arith.addi %iota3A, %add3A_410 : vector<16xi32>
    %swap3A_412 = arith.constant 8 : i32
    %swap3A_413 = arith.constant 0 : i32
    %swap3A_414 = arith.index_cast %swap3A_412 : i32 to index
    %swap3A_415 = arith.index_cast %swap3A_413 : i32 to index
    %swap3A_416 = arith.constant 32 : index
    %swap3A_417 = tpu.vector_load %arg6[%swap3A_414, %swap3A_415, %swap3A_416] {strides = array<i32>} : memref<10x1x64xi32, #tpu.memory_space<vmem>>, vector<1x1x16xi32>,
    %swap3A_418 = vector.shape_cast %swap3A_417 : vector<1x1x16xi32> to vector<16xi32>
    %swap3A_419 = vector.shape_cast %add3A_411 : vector<16xi32> to vector<1x1x16xi32>
    tpu.vector_store %arg6[%swap3A_414, %swap3A_415, %swap3A_416], %swap3A_419 {strides = array<i32>} : memref<10x1x64xi32, #tpu.memory_space<vmem>>, vector<1x1x16xi32>,
    %add3A_420 = arith.constant 146480 : i32
    %add3A_421 = arith.addi %mul3A_0, %add3A_420 : i32
    %add3A_422 = vector.broadcast %add3A_421 : i32 to vector<16xi32>
    %add3A_423 = arith.addi %iota3A, %add3A_422 : vector<16xi32>
    %swap3A_424 = arith.constant 8 : i32
    %swap3A_425 = arith.constant 0 : i32
    %swap3A_426 = arith.index_cast %swap3A_424 : i32 to index
    %swap3A_427 = arith.index_cast %swap3A_425 : i32 to index
    %swap3A_428 = arith.constant 48 : index
    %swap3A_429 = tpu.vector_load %arg6[%swap3A_426, %swap3A_427, %swap3A_428] {strides = array<i32>} : memref<10x1x64xi32, #tpu.memory_space<vmem>>, vector<1x1x16xi32>,
    %swap3A_430 = vector.shape_cast %swap3A_429 : vector<1x1x16xi32> to vector<16xi32>
    %swap3A_431 = vector.shape_cast %add3A_423 : vector<16xi32> to vector<1x1x16xi32>
    tpu.vector_store %arg6[%swap3A_426, %swap3A_427, %swap3A_428], %swap3A_431 {strides = array<i32>} : memref<10x1x64xi32, #tpu.memory_space<vmem>>, vector<1x1x16xi32>,
    %add3A_432 = arith.constant 162816 : i32
    %add3A_433 = arith.addi %mul3A_0, %add3A_432 : i32
    %add3A_434 = vector.broadcast %add3A_433 : i32 to vector<16xi32>
    %add3A_435 = arith.addi %iota3A, %add3A_434 : vector<16xi32>
    %swap3A_436 = arith.constant 9 : i32
    %swap3A_437 = arith.constant 0 : i32
    %swap3A_438 = arith.index_cast %swap3A_436 : i32 to index
    %swap3A_439 = arith.index_cast %swap3A_437 : i32 to index
    %swap3A_440 = arith.constant 0 : index
    %swap3A_441 = tpu.vector_load %arg6[%swap3A_438, %swap3A_439, %swap3A_440] {strides = array<i32>} : memref<10x1x64xi32, #tpu.memory_space<vmem>>, vector<1x1x16xi32>,
    %swap3A_442 = vector.shape_cast %swap3A_441 : vector<1x1x16xi32> to vector<16xi32>
    %swap3A_443 = vector.shape_cast %add3A_435 : vector<16xi32> to vector<1x1x16xi32>
    tpu.vector_store %arg6[%swap3A_438, %swap3A_439, %swap3A_440], %swap3A_443 {strides = array<i32>} : memref<10x1x64xi32, #tpu.memory_space<vmem>>, vector<1x1x16xi32>,
    %add3A_444 = arith.constant 162832 : i32
    %add3A_445 = arith.addi %mul3A_0, %add3A_444 : i32
    %add3A_446 = vector.broadcast %add3A_445 : i32 to vector<16xi32>
    %add3A_447 = arith.addi %iota3A, %add3A_446 : vector<16xi32>
    %swap3A_448 = arith.constant 9 : i32
    %swap3A_449 = arith.constant 0 : i32
    %swap3A_450 = arith.index_cast %swap3A_448 : i32 to index
    %swap3A_451 = arith.index_cast %swap3A_449 : i32 to index
    %swap3A_452 = arith.constant 16 : index
    %swap3A_453 = tpu.vector_load %arg6[%swap3A_450, %swap3A_451, %swap3A_452] {strides = array<i32>} : memref<10x1x64xi32, #tpu.memory_space<vmem>>, vector<1x1x16xi32>,
    %swap3A_454 = vector.shape_cast %swap3A_453 : vector<1x1x16xi32> to vector<16xi32>
    %swap3A_455 = vector.shape_cast %add3A_447 : vector<16xi32> to vector<1x1x16xi32>
    tpu.vector_store %arg6[%swap3A_450, %swap3A_451, %swap3A_452], %swap3A_455 {strides = array<i32>} : memref<10x1x64xi32, #tpu.memory_space<vmem>>, vector<1x1x16xi32>,
    %add3A_456 = arith.constant 162848 : i32
    %add3A_457 = arith.addi %mul3A_0, %add3A_456 : i32
    %add3A_458 = vector.broadcast %add3A_457 : i32 to vector<16xi32>
    %add3A_459 = arith.addi %iota3A, %add3A_458 : vector<16xi32>
    %swap3A_460 = arith.constant 9 : i32
    %swap3A_461 = arith.constant 0 : i32
    %swap3A_462 = arith.index_cast %swap3A_460 : i32 to index
    %swap3A_463 = arith.index_cast %swap3A_461 : i32 to index
    %swap3A_464 = arith.constant 32 : index
    %swap3A_465 = tpu.vector_load %arg6[%swap3A_462, %swap3A_463, %swap3A_464] {strides = array<i32>} : memref<10x1x64xi32, #tpu.memory_space<vmem>>, vector<1x1x16xi32>,
    %swap3A_466 = vector.shape_cast %swap3A_465 : vector<1x1x16xi32> to vector<16xi32>
    %swap3A_467 = vector.shape_cast %add3A_459 : vector<16xi32> to vector<1x1x16xi32>
    tpu.vector_store %arg6[%swap3A_462, %swap3A_463, %swap3A_464], %swap3A_467 {strides = array<i32>} : memref<10x1x64xi32, #tpu.memory_space<vmem>>, vector<1x1x16xi32>,
    %add3A_468 = arith.constant 162864 : i32
    %add3A_469 = arith.addi %mul3A_0, %add3A_468 : i32
    %add3A_470 = vector.broadcast %add3A_469 : i32 to vector<16xi32>
    %add3A_471 = arith.addi %iota3A, %add3A_470 : vector<16xi32>
    %swap3A_472 = arith.constant 9 : i32
    %swap3A_473 = arith.constant 0 : i32
    %swap3A_474 = arith.index_cast %swap3A_472 : i32 to index
    %swap3A_475 = arith.index_cast %swap3A_473 : i32 to index
    %swap3A_476 = arith.constant 48 : index
    %swap3A_477 = tpu.vector_load %arg6[%swap3A_474, %swap3A_475, %swap3A_476] {strides = array<i32>} : memref<10x1x64xi32, #tpu.memory_space<vmem>>, vector<1x1x16xi32>,
    %swap3A_478 = vector.shape_cast %swap3A_477 : vector<1x1x16xi32> to vector<16xi32>
    %swap3A_479 = vector.shape_cast %add3A_471 : vector<16xi32> to vector<1x1x16xi32>
    tpu.vector_store %arg6[%swap3A_474, %swap3A_475, %swap3A_476], %swap3A_479 {strides = array<i32>} : memref<10x1x64xi32, #tpu.memory_space<vmem>>, vector<1x1x16xi32>,
    %add3A_480 = arith.constant 15360 : i32
    %add3A_481 = arith.addi %add3A_480, %mul3A_0 : i32
    "tpu.region"() ({
      %run_scoped3A = tpu.sem_alloc : memref<!tpu.dma_semaphore, #tpu.memory_space<semaphore_mem>>
      %dma_start3A_700 = arith.constant 0 : i32
      %dma_start3A_701 = tpu.memref_slice %arg2[%add3A_481, %dma_start3A_700] : memref<16384x128xf32, #tpu.memory_space<hbm>> -> memref<64x128xf32, #tpu.memory_space<hbm>>
      %dma_start3A_702 = arith.constant 0 : i32
      %dma_start3A_703 = tpu.memref_slice %arg2[%add3A_481, %dma_start3A_702] : memref<16384x128xf32, #tpu.memory_space<hbm>> -> memref<64x128xf32, #tpu.memory_space<hbm>>
      tpu.enqueue_dma source(%dma_start3A_703 : memref<64x128xf32, #tpu.memory_space<hbm>>) target(%arg5 : memref<64x128xf32, #tpu.memory_space<vmem>>) target_semaphore(%run_scoped3A : memref<!tpu.dma_semaphore, #tpu.memory_space<semaphore_mem>>)
      %dma_wait3A_704 = arith.constant 0 : i32
      %dma_wait3A_705 = tpu.memref_slice %arg2[%add3A_481, %dma_wait3A_704] : memref<16384x128xf32, #tpu.memory_space<hbm>> -> memref<64x128xf32, #tpu.memory_space<hbm>>
      %dma_wait3A_706 = arith.constant 0 : i32
      %dma_wait3A_707 = tpu.memref_slice %arg2[%add3A_481, %dma_wait3A_706] : memref<16384x128xf32, #tpu.memory_space<hbm>> -> memref<64x128xf32, #tpu.memory_space<hbm>>
      tpu.wait_dma2 semaphore(%run_scoped3A : memref<!tpu.dma_semaphore, #tpu.memory_space<semaphore_mem>>) src(%dma_wait3A_707 : memref<64x128xf32, #tpu.memory_space<hbm>>) dst(%arg5 : memref<64x128xf32, #tpu.memory_space<vmem>>)
      tpu.yield
    }) : () -> ()
    %dma_start3A = arith.constant 0 : i32
    %dma_start3A_482 = arith.constant 0 : i32
    %dma_start3A_483 = arith.constant 0 : i32
    %dma_start3A_484 = arith.constant 0 : i32
    %dma_start3A_485 = tpu.memref_slice %arg5[%dma_start3A_483, %dma_start3A_484] : memref<64x128xf32, #tpu.memory_space<vmem>> -> memref<64x128xf32, #tpu.memory_space<vmem>>
    %dma_start3A_486 = arith.constant 0 : i32
    %dma_start3A_487 = tpu.memref_slice %arg6[%dma_start3A, %dma_start3A_482, %dma_start3A_486] : memref<10x1x64xi32, #tpu.memory_space<vmem>> -> memref<1x1x64xi32, #tpu.memory_space<vmem>>
    %dma_start3A_488 = tpu.memref_squeeze %dma_start3A_487 : memref<1x1x64xi32, #tpu.memory_space<vmem>> -> memref<64xi32, #tpu.memory_space<vmem>>
    %dma_start3A_489 = arith.constant 0 : i32
    %dma_start3A_490 = arith.constant 0 : i32
    %dma_start3A_491 = tpu.memref_slice %arg3[%dma_start3A_489, %dma_start3A_490] : memref<180224x128xf32, #tpu.memory_space<hbm>> -> memref<180224x128xf32, #tpu.memory_space<hbm>>
    tpu.enqueue_indirect_dma source(%dma_start3A_491 : memref<180224x128xf32, #tpu.memory_space<hbm>>) target(%dma_start3A_485 : memref<64x128xf32, #tpu.memory_space<vmem>>) offsets(%dma_start3A_488 : memref<64xi32, #tpu.memory_space<vmem>>) semaphore(%arg7 : memref<!tpu.dma_semaphore, #tpu.memory_space<semaphore_mem>>) {add = true}
    %dma_start3A_492 = arith.constant 1 : i32
    %dma_start3A_493 = arith.constant 0 : i32
    %dma_start3A_494 = arith.constant 0 : i32
    %dma_start3A_495 = arith.constant 0 : i32
    %dma_start3A_496 = tpu.memref_slice %arg5[%dma_start3A_494, %dma_start3A_495] : memref<64x128xf32, #tpu.memory_space<vmem>> -> memref<64x128xf32, #tpu.memory_space<vmem>>
    %dma_start3A_497 = arith.constant 0 : i32
    %dma_start3A_498 = tpu.memref_slice %arg6[%dma_start3A_492, %dma_start3A_493, %dma_start3A_497] : memref<10x1x64xi32, #tpu.memory_space<vmem>> -> memref<1x1x64xi32, #tpu.memory_space<vmem>>
    %dma_start3A_499 = tpu.memref_squeeze %dma_start3A_498 : memref<1x1x64xi32, #tpu.memory_space<vmem>> -> memref<64xi32, #tpu.memory_space<vmem>>
    %dma_start3A_500 = arith.constant 0 : i32
    %dma_start3A_501 = arith.constant 0 : i32
    %dma_start3A_502 = tpu.memref_slice %arg3[%dma_start3A_500, %dma_start3A_501] : memref<180224x128xf32, #tpu.memory_space<hbm>> -> memref<180224x128xf32, #tpu.memory_space<hbm>>
    tpu.enqueue_indirect_dma source(%dma_start3A_502 : memref<180224x128xf32, #tpu.memory_space<hbm>>) target(%dma_start3A_496 : memref<64x128xf32, #tpu.memory_space<vmem>>) offsets(%dma_start3A_499 : memref<64xi32, #tpu.memory_space<vmem>>) semaphore(%arg7 : memref<!tpu.dma_semaphore, #tpu.memory_space<semaphore_mem>>) {add = true}
    %dma_start3A_503 = arith.constant 2 : i32
    %dma_start3A_504 = arith.constant 0 : i32
    %dma_start3A_505 = arith.constant 0 : i32
    %dma_start3A_506 = arith.constant 0 : i32
    %dma_start3A_507 = tpu.memref_slice %arg5[%dma_start3A_505, %dma_start3A_506] : memref<64x128xf32, #tpu.memory_space<vmem>> -> memref<64x128xf32, #tpu.memory_space<vmem>>
    %dma_start3A_508 = arith.constant 0 : i32
    %dma_start3A_509 = tpu.memref_slice %arg6[%dma_start3A_503, %dma_start3A_504, %dma_start3A_508] : memref<10x1x64xi32, #tpu.memory_space<vmem>> -> memref<1x1x64xi32, #tpu.memory_space<vmem>>
    %dma_start3A_510 = tpu.memref_squeeze %dma_start3A_509 : memref<1x1x64xi32, #tpu.memory_space<vmem>> -> memref<64xi32, #tpu.memory_space<vmem>>
    %dma_start3A_511 = arith.constant 0 : i32
    %dma_start3A_512 = arith.constant 0 : i32
    %dma_start3A_513 = tpu.memref_slice %arg3[%dma_start3A_511, %dma_start3A_512] : memref<180224x128xf32, #tpu.memory_space<hbm>> -> memref<180224x128xf32, #tpu.memory_space<hbm>>
    tpu.enqueue_indirect_dma source(%dma_start3A_513 : memref<180224x128xf32, #tpu.memory_space<hbm>>) target(%dma_start3A_507 : memref<64x128xf32, #tpu.memory_space<vmem>>) offsets(%dma_start3A_510 : memref<64xi32, #tpu.memory_space<vmem>>) semaphore(%arg7 : memref<!tpu.dma_semaphore, #tpu.memory_space<semaphore_mem>>) {add = true}
    %dma_start3A_514 = arith.constant 3 : i32
    %dma_start3A_515 = arith.constant 0 : i32
    %dma_start3A_516 = arith.constant 0 : i32
    %dma_start3A_517 = arith.constant 0 : i32
    %dma_start3A_518 = tpu.memref_slice %arg5[%dma_start3A_516, %dma_start3A_517] : memref<64x128xf32, #tpu.memory_space<vmem>> -> memref<64x128xf32, #tpu.memory_space<vmem>>
    %dma_start3A_519 = arith.constant 0 : i32
    %dma_start3A_520 = tpu.memref_slice %arg6[%dma_start3A_514, %dma_start3A_515, %dma_start3A_519] : memref<10x1x64xi32, #tpu.memory_space<vmem>> -> memref<1x1x64xi32, #tpu.memory_space<vmem>>
    %dma_start3A_521 = tpu.memref_squeeze %dma_start3A_520 : memref<1x1x64xi32, #tpu.memory_space<vmem>> -> memref<64xi32, #tpu.memory_space<vmem>>
    %dma_start3A_522 = arith.constant 0 : i32
    %dma_start3A_523 = arith.constant 0 : i32
    %dma_start3A_524 = tpu.memref_slice %arg3[%dma_start3A_522, %dma_start3A_523] : memref<180224x128xf32, #tpu.memory_space<hbm>> -> memref<180224x128xf32, #tpu.memory_space<hbm>>
    tpu.enqueue_indirect_dma source(%dma_start3A_524 : memref<180224x128xf32, #tpu.memory_space<hbm>>) target(%dma_start3A_518 : memref<64x128xf32, #tpu.memory_space<vmem>>) offsets(%dma_start3A_521 : memref<64xi32, #tpu.memory_space<vmem>>) semaphore(%arg7 : memref<!tpu.dma_semaphore, #tpu.memory_space<semaphore_mem>>) {add = true}
    %dma_start3A_525 = arith.constant 4 : i32
    %dma_start3A_526 = arith.constant 0 : i32
    %dma_start3A_527 = arith.constant 0 : i32
    %dma_start3A_528 = arith.constant 0 : i32
    %dma_start3A_529 = tpu.memref_slice %arg5[%dma_start3A_527, %dma_start3A_528] : memref<64x128xf32, #tpu.memory_space<vmem>> -> memref<64x128xf32, #tpu.memory_space<vmem>>
    %dma_start3A_530 = arith.constant 0 : i32
    %dma_start3A_531 = tpu.memref_slice %arg6[%dma_start3A_525, %dma_start3A_526, %dma_start3A_530] : memref<10x1x64xi32, #tpu.memory_space<vmem>> -> memref<1x1x64xi32, #tpu.memory_space<vmem>>
    %dma_start3A_532 = tpu.memref_squeeze %dma_start3A_531 : memref<1x1x64xi32, #tpu.memory_space<vmem>> -> memref<64xi32, #tpu.memory_space<vmem>>
    %dma_start3A_533 = arith.constant 0 : i32
    %dma_start3A_534 = arith.constant 0 : i32
    %dma_start3A_535 = tpu.memref_slice %arg3[%dma_start3A_533, %dma_start3A_534] : memref<180224x128xf32, #tpu.memory_space<hbm>> -> memref<180224x128xf32, #tpu.memory_space<hbm>>
    tpu.enqueue_indirect_dma source(%dma_start3A_535 : memref<180224x128xf32, #tpu.memory_space<hbm>>) target(%dma_start3A_529 : memref<64x128xf32, #tpu.memory_space<vmem>>) offsets(%dma_start3A_532 : memref<64xi32, #tpu.memory_space<vmem>>) semaphore(%arg7 : memref<!tpu.dma_semaphore, #tpu.memory_space<semaphore_mem>>) {add = true}
    %dma_start3A_536 = arith.constant 5 : i32
    %dma_start3A_537 = arith.constant 0 : i32
    %dma_start3A_538 = arith.constant 0 : i32
    %dma_start3A_539 = arith.constant 0 : i32
    %dma_start3A_540 = tpu.memref_slice %arg5[%dma_start3A_538, %dma_start3A_539] : memref<64x128xf32, #tpu.memory_space<vmem>> -> memref<64x128xf32, #tpu.memory_space<vmem>>
    %dma_start3A_541 = arith.constant 0 : i32
    %dma_start3A_542 = tpu.memref_slice %arg6[%dma_start3A_536, %dma_start3A_537, %dma_start3A_541] : memref<10x1x64xi32, #tpu.memory_space<vmem>> -> memref<1x1x64xi32, #tpu.memory_space<vmem>>
    %dma_start3A_543 = tpu.memref_squeeze %dma_start3A_542 : memref<1x1x64xi32, #tpu.memory_space<vmem>> -> memref<64xi32, #tpu.memory_space<vmem>>
    %dma_start3A_544 = arith.constant 0 : i32
    %dma_start3A_545 = arith.constant 0 : i32
    %dma_start3A_546 = tpu.memref_slice %arg3[%dma_start3A_544, %dma_start3A_545] : memref<180224x128xf32, #tpu.memory_space<hbm>> -> memref<180224x128xf32, #tpu.memory_space<hbm>>
    tpu.enqueue_indirect_dma source(%dma_start3A_546 : memref<180224x128xf32, #tpu.memory_space<hbm>>) target(%dma_start3A_540 : memref<64x128xf32, #tpu.memory_space<vmem>>) offsets(%dma_start3A_543 : memref<64xi32, #tpu.memory_space<vmem>>) semaphore(%arg7 : memref<!tpu.dma_semaphore, #tpu.memory_space<semaphore_mem>>) {add = true}
    %dma_start3A_547 = arith.constant 6 : i32
    %dma_start3A_548 = arith.constant 0 : i32
    %dma_start3A_549 = arith.constant 0 : i32
    %dma_start3A_550 = arith.constant 0 : i32
    %dma_start3A_551 = tpu.memref_slice %arg5[%dma_start3A_549, %dma_start3A_550] : memref<64x128xf32, #tpu.memory_space<vmem>> -> memref<64x128xf32, #tpu.memory_space<vmem>>
    %dma_start3A_552 = arith.constant 0 : i32
    %dma_start3A_553 = tpu.memref_slice %arg6[%dma_start3A_547, %dma_start3A_548, %dma_start3A_552] : memref<10x1x64xi32, #tpu.memory_space<vmem>> -> memref<1x1x64xi32, #tpu.memory_space<vmem>>
    %dma_start3A_554 = tpu.memref_squeeze %dma_start3A_553 : memref<1x1x64xi32, #tpu.memory_space<vmem>> -> memref<64xi32, #tpu.memory_space<vmem>>
    %dma_start3A_555 = arith.constant 0 : i32
    %dma_start3A_556 = arith.constant 0 : i32
    %dma_start3A_557 = tpu.memref_slice %arg3[%dma_start3A_555, %dma_start3A_556] : memref<180224x128xf32, #tpu.memory_space<hbm>> -> memref<180224x128xf32, #tpu.memory_space<hbm>>
    tpu.enqueue_indirect_dma source(%dma_start3A_557 : memref<180224x128xf32, #tpu.memory_space<hbm>>) target(%dma_start3A_551 : memref<64x128xf32, #tpu.memory_space<vmem>>) offsets(%dma_start3A_554 : memref<64xi32, #tpu.memory_space<vmem>>) semaphore(%arg7 : memref<!tpu.dma_semaphore, #tpu.memory_space<semaphore_mem>>) {add = true}
    %dma_start3A_558 = arith.constant 7 : i32
    %dma_start3A_559 = arith.constant 0 : i32
    %dma_start3A_560 = arith.constant 0 : i32
    %dma_start3A_561 = arith.constant 0 : i32
    %dma_start3A_562 = tpu.memref_slice %arg5[%dma_start3A_560, %dma_start3A_561] : memref<64x128xf32, #tpu.memory_space<vmem>> -> memref<64x128xf32, #tpu.memory_space<vmem>>
    %dma_start3A_563 = arith.constant 0 : i32
    %dma_start3A_564 = tpu.memref_slice %arg6[%dma_start3A_558, %dma_start3A_559, %dma_start3A_563] : memref<10x1x64xi32, #tpu.memory_space<vmem>> -> memref<1x1x64xi32, #tpu.memory_space<vmem>>
    %dma_start3A_565 = tpu.memref_squeeze %dma_start3A_564 : memref<1x1x64xi32, #tpu.memory_space<vmem>> -> memref<64xi32, #tpu.memory_space<vmem>>
    %dma_start3A_566 = arith.constant 0 : i32
    %dma_start3A_567 = arith.constant 0 : i32
    %dma_start3A_568 = tpu.memref_slice %arg3[%dma_start3A_566, %dma_start3A_567] : memref<180224x128xf32, #tpu.memory_space<hbm>> -> memref<180224x128xf32, #tpu.memory_space<hbm>>
    tpu.enqueue_indirect_dma source(%dma_start3A_568 : memref<180224x128xf32, #tpu.memory_space<hbm>>) target(%dma_start3A_562 : memref<64x128xf32, #tpu.memory_space<vmem>>) offsets(%dma_start3A_565 : memref<64xi32, #tpu.memory_space<vmem>>) semaphore(%arg7 : memref<!tpu.dma_semaphore, #tpu.memory_space<semaphore_mem>>) {add = true}
    %dma_start3A_569 = arith.constant 8 : i32
    %dma_start3A_570 = arith.constant 0 : i32
    %dma_start3A_571 = arith.constant 0 : i32
    %dma_start3A_572 = arith.constant 0 : i32
    %dma_start3A_573 = tpu.memref_slice %arg5[%dma_start3A_571, %dma_start3A_572] : memref<64x128xf32, #tpu.memory_space<vmem>> -> memref<64x128xf32, #tpu.memory_space<vmem>>
    %dma_start3A_574 = arith.constant 0 : i32
    %dma_start3A_575 = tpu.memref_slice %arg6[%dma_start3A_569, %dma_start3A_570, %dma_start3A_574] : memref<10x1x64xi32, #tpu.memory_space<vmem>> -> memref<1x1x64xi32, #tpu.memory_space<vmem>>
    %dma_start3A_576 = tpu.memref_squeeze %dma_start3A_575 : memref<1x1x64xi32, #tpu.memory_space<vmem>> -> memref<64xi32, #tpu.memory_space<vmem>>
    %dma_start3A_577 = arith.constant 0 : i32
    %dma_start3A_578 = arith.constant 0 : i32
    %dma_start3A_579 = tpu.memref_slice %arg3[%dma_start3A_577, %dma_start3A_578] : memref<180224x128xf32, #tpu.memory_space<hbm>> -> memref<180224x128xf32, #tpu.memory_space<hbm>>
    tpu.enqueue_indirect_dma source(%dma_start3A_579 : memref<180224x128xf32, #tpu.memory_space<hbm>>) target(%dma_start3A_573 : memref<64x128xf32, #tpu.memory_space<vmem>>) offsets(%dma_start3A_576 : memref<64xi32, #tpu.memory_space<vmem>>) semaphore(%arg7 : memref<!tpu.dma_semaphore, #tpu.memory_space<semaphore_mem>>) {add = true}
    %dma_start3A_580 = arith.constant 9 : i32
    %dma_start3A_581 = arith.constant 0 : i32
    %dma_start3A_582 = arith.constant 0 : i32
    %dma_start3A_583 = arith.constant 0 : i32
    %dma_start3A_584 = tpu.memref_slice %arg5[%dma_start3A_582, %dma_start3A_583] : memref<64x128xf32, #tpu.memory_space<vmem>> -> memref<64x128xf32, #tpu.memory_space<vmem>>
    %dma_start3A_585 = arith.constant 0 : i32
    %dma_start3A_586 = tpu.memref_slice %arg6[%dma_start3A_580, %dma_start3A_581, %dma_start3A_585] : memref<10x1x64xi32, #tpu.memory_space<vmem>> -> memref<1x1x64xi32, #tpu.memory_space<vmem>>
    %dma_start3A_587 = tpu.memref_squeeze %dma_start3A_586 : memref<1x1x64xi32, #tpu.memory_space<vmem>> -> memref<64xi32, #tpu.memory_space<vmem>>
    %dma_start3A_588 = arith.constant 0 : i32
    %dma_start3A_589 = arith.constant 0 : i32
    %dma_start3A_590 = tpu.memref_slice %arg3[%dma_start3A_588, %dma_start3A_589] : memref<180224x128xf32, #tpu.memory_space<hbm>> -> memref<180224x128xf32, #tpu.memory_space<hbm>>
    tpu.enqueue_indirect_dma source(%dma_start3A_590 : memref<180224x128xf32, #tpu.memory_space<hbm>>) target(%dma_start3A_584 : memref<64x128xf32, #tpu.memory_space<vmem>>) offsets(%dma_start3A_587 : memref<64xi32, #tpu.memory_space<vmem>>) semaphore(%arg7 : memref<!tpu.dma_semaphore, #tpu.memory_space<semaphore_mem>>) {add = true}
    %dma_wait3A = arith.constant 0 : i32
    %dma_wait3A_591 = arith.constant 0 : i32
    %dma_wait3A_592 = arith.constant 0 : i32
    %dma_wait3A_593 = arith.constant 0 : i32
    %dma_wait3A_594 = tpu.memref_slice %arg5[%dma_wait3A_592, %dma_wait3A_593] : memref<64x128xf32, #tpu.memory_space<vmem>> -> memref<64x128xf32, #tpu.memory_space<vmem>>
    %dma_wait3A_595 = arith.constant 0 : i32
    %dma_wait3A_596 = tpu.memref_slice %arg6[%dma_wait3A, %dma_wait3A_591, %dma_wait3A_595] : memref<10x1x64xi32, #tpu.memory_space<vmem>> -> memref<1x1x64xi32, #tpu.memory_space<vmem>>
    %dma_wait3A_597 = tpu.memref_squeeze %dma_wait3A_596 : memref<1x1x64xi32, #tpu.memory_space<vmem>> -> memref<64xi32, #tpu.memory_space<vmem>>
    %dma_wait3A_598 = arith.constant 0 : i32
    %dma_wait3A_599 = arith.constant 0 : i32
    %dma_wait3A_600 = tpu.memref_slice %arg3[%dma_wait3A_598, %dma_wait3A_599] : memref<180224x128xf32, #tpu.memory_space<hbm>> -> memref<180224x128xf32, #tpu.memory_space<hbm>>
    tpu.wait_indirect_dma semaphore(%arg7 : memref<!tpu.dma_semaphore, #tpu.memory_space<semaphore_mem>>) src(%dma_wait3A_600 : memref<180224x128xf32, #tpu.memory_space<hbm>>) dst(%dma_wait3A_594 : memref<64x128xf32, #tpu.memory_space<vmem>>)
    %dma_wait3A_601 = arith.constant 1 : i32
    %dma_wait3A_602 = arith.constant 0 : i32
    %dma_wait3A_603 = arith.constant 0 : i32
    %dma_wait3A_604 = arith.constant 0 : i32
    %dma_wait3A_605 = tpu.memref_slice %arg5[%dma_wait3A_603, %dma_wait3A_604] : memref<64x128xf32, #tpu.memory_space<vmem>> -> memref<64x128xf32, #tpu.memory_space<vmem>>
    %dma_wait3A_606 = arith.constant 0 : i32
    %dma_wait3A_607 = tpu.memref_slice %arg6[%dma_wait3A_601, %dma_wait3A_602, %dma_wait3A_606] : memref<10x1x64xi32, #tpu.memory_space<vmem>> -> memref<1x1x64xi32, #tpu.memory_space<vmem>>
    %dma_wait3A_608 = tpu.memref_squeeze %dma_wait3A_607 : memref<1x1x64xi32, #tpu.memory_space<vmem>> -> memref<64xi32, #tpu.memory_space<vmem>>
    %dma_wait3A_609 = arith.constant 0 : i32
    %dma_wait3A_610 = arith.constant 0 : i32
    %dma_wait3A_611 = tpu.memref_slice %arg3[%dma_wait3A_609, %dma_wait3A_610] : memref<180224x128xf32, #tpu.memory_space<hbm>> -> memref<180224x128xf32, #tpu.memory_space<hbm>>
    tpu.wait_indirect_dma semaphore(%arg7 : memref<!tpu.dma_semaphore, #tpu.memory_space<semaphore_mem>>) src(%dma_wait3A_611 : memref<180224x128xf32, #tpu.memory_space<hbm>>) dst(%dma_wait3A_605 : memref<64x128xf32, #tpu.memory_space<vmem>>)
    %dma_wait3A_612 = arith.constant 2 : i32
    %dma_wait3A_613 = arith.constant 0 : i32
    %dma_wait3A_614 = arith.constant 0 : i32
    %dma_wait3A_615 = arith.constant 0 : i32
    %dma_wait3A_616 = tpu.memref_slice %arg5[%dma_wait3A_614, %dma_wait3A_615] : memref<64x128xf32, #tpu.memory_space<vmem>> -> memref<64x128xf32, #tpu.memory_space<vmem>>
    %dma_wait3A_617 = arith.constant 0 : i32
    %dma_wait3A_618 = tpu.memref_slice %arg6[%dma_wait3A_612, %dma_wait3A_613, %dma_wait3A_617] : memref<10x1x64xi32, #tpu.memory_space<vmem>> -> memref<1x1x64xi32, #tpu.memory_space<vmem>>
    %dma_wait3A_619 = tpu.memref_squeeze %dma_wait3A_618 : memref<1x1x64xi32, #tpu.memory_space<vmem>> -> memref<64xi32, #tpu.memory_space<vmem>>
    %dma_wait3A_620 = arith.constant 0 : i32
    %dma_wait3A_621 = arith.constant 0 : i32
    %dma_wait3A_622 = tpu.memref_slice %arg3[%dma_wait3A_620, %dma_wait3A_621] : memref<180224x128xf32, #tpu.memory_space<hbm>> -> memref<180224x128xf32, #tpu.memory_space<hbm>>
    tpu.wait_indirect_dma semaphore(%arg7 : memref<!tpu.dma_semaphore, #tpu.memory_space<semaphore_mem>>) src(%dma_wait3A_622 : memref<180224x128xf32, #tpu.memory_space<hbm>>) dst(%dma_wait3A_616 : memref<64x128xf32, #tpu.memory_space<vmem>>)
    %dma_wait3A_623 = arith.constant 3 : i32
    %dma_wait3A_624 = arith.constant 0 : i32
    %dma_wait3A_625 = arith.constant 0 : i32
    %dma_wait3A_626 = arith.constant 0 : i32
    %dma_wait3A_627 = tpu.memref_slice %arg5[%dma_wait3A_625, %dma_wait3A_626] : memref<64x128xf32, #tpu.memory_space<vmem>> -> memref<64x128xf32, #tpu.memory_space<vmem>>
    %dma_wait3A_628 = arith.constant 0 : i32
    %dma_wait3A_629 = tpu.memref_slice %arg6[%dma_wait3A_623, %dma_wait3A_624, %dma_wait3A_628] : memref<10x1x64xi32, #tpu.memory_space<vmem>> -> memref<1x1x64xi32, #tpu.memory_space<vmem>>
    %dma_wait3A_630 = tpu.memref_squeeze %dma_wait3A_629 : memref<1x1x64xi32, #tpu.memory_space<vmem>> -> memref<64xi32, #tpu.memory_space<vmem>>
    %dma_wait3A_631 = arith.constant 0 : i32
    %dma_wait3A_632 = arith.constant 0 : i32
    %dma_wait3A_633 = tpu.memref_slice %arg3[%dma_wait3A_631, %dma_wait3A_632] : memref<180224x128xf32, #tpu.memory_space<hbm>> -> memref<180224x128xf32, #tpu.memory_space<hbm>>
    tpu.wait_indirect_dma semaphore(%arg7 : memref<!tpu.dma_semaphore, #tpu.memory_space<semaphore_mem>>) src(%dma_wait3A_633 : memref<180224x128xf32, #tpu.memory_space<hbm>>) dst(%dma_wait3A_627 : memref<64x128xf32, #tpu.memory_space<vmem>>)
    %dma_wait3A_634 = arith.constant 4 : i32
    %dma_wait3A_635 = arith.constant 0 : i32
    %dma_wait3A_636 = arith.constant 0 : i32
    %dma_wait3A_637 = arith.constant 0 : i32
    %dma_wait3A_638 = tpu.memref_slice %arg5[%dma_wait3A_636, %dma_wait3A_637] : memref<64x128xf32, #tpu.memory_space<vmem>> -> memref<64x128xf32, #tpu.memory_space<vmem>>
    %dma_wait3A_639 = arith.constant 0 : i32
    %dma_wait3A_640 = tpu.memref_slice %arg6[%dma_wait3A_634, %dma_wait3A_635, %dma_wait3A_639] : memref<10x1x64xi32, #tpu.memory_space<vmem>> -> memref<1x1x64xi32, #tpu.memory_space<vmem>>
    %dma_wait3A_641 = tpu.memref_squeeze %dma_wait3A_640 : memref<1x1x64xi32, #tpu.memory_space<vmem>> -> memref<64xi32, #tpu.memory_space<vmem>>
    %dma_wait3A_642 = arith.constant 0 : i32
    %dma_wait3A_643 = arith.constant 0 : i32
    %dma_wait3A_644 = tpu.memref_slice %arg3[%dma_wait3A_642, %dma_wait3A_643] : memref<180224x128xf32, #tpu.memory_space<hbm>> -> memref<180224x128xf32, #tpu.memory_space<hbm>>
    tpu.wait_indirect_dma semaphore(%arg7 : memref<!tpu.dma_semaphore, #tpu.memory_space<semaphore_mem>>) src(%dma_wait3A_644 : memref<180224x128xf32, #tpu.memory_space<hbm>>) dst(%dma_wait3A_638 : memref<64x128xf32, #tpu.memory_space<vmem>>)
    %dma_wait3A_645 = arith.constant 5 : i32
    %dma_wait3A_646 = arith.constant 0 : i32
    %dma_wait3A_647 = arith.constant 0 : i32
    %dma_wait3A_648 = arith.constant 0 : i32
    %dma_wait3A_649 = tpu.memref_slice %arg5[%dma_wait3A_647, %dma_wait3A_648] : memref<64x128xf32, #tpu.memory_space<vmem>> -> memref<64x128xf32, #tpu.memory_space<vmem>>
    %dma_wait3A_650 = arith.constant 0 : i32
    %dma_wait3A_651 = tpu.memref_slice %arg6[%dma_wait3A_645, %dma_wait3A_646, %dma_wait3A_650] : memref<10x1x64xi32, #tpu.memory_space<vmem>> -> memref<1x1x64xi32, #tpu.memory_space<vmem>>
    %dma_wait3A_652 = tpu.memref_squeeze %dma_wait3A_651 : memref<1x1x64xi32, #tpu.memory_space<vmem>> -> memref<64xi32, #tpu.memory_space<vmem>>
    %dma_wait3A_653 = arith.constant 0 : i32
    %dma_wait3A_654 = arith.constant 0 : i32
    %dma_wait3A_655 = tpu.memref_slice %arg3[%dma_wait3A_653, %dma_wait3A_654] : memref<180224x128xf32, #tpu.memory_space<hbm>> -> memref<180224x128xf32, #tpu.memory_space<hbm>>
    tpu.wait_indirect_dma semaphore(%arg7 : memref<!tpu.dma_semaphore, #tpu.memory_space<semaphore_mem>>) src(%dma_wait3A_655 : memref<180224x128xf32, #tpu.memory_space<hbm>>) dst(%dma_wait3A_649 : memref<64x128xf32, #tpu.memory_space<vmem>>)
    %dma_wait3A_656 = arith.constant 6 : i32
    %dma_wait3A_657 = arith.constant 0 : i32
    %dma_wait3A_658 = arith.constant 0 : i32
    %dma_wait3A_659 = arith.constant 0 : i32
    %dma_wait3A_660 = tpu.memref_slice %arg5[%dma_wait3A_658, %dma_wait3A_659] : memref<64x128xf32, #tpu.memory_space<vmem>> -> memref<64x128xf32, #tpu.memory_space<vmem>>
    %dma_wait3A_661 = arith.constant 0 : i32
    %dma_wait3A_662 = tpu.memref_slice %arg6[%dma_wait3A_656, %dma_wait3A_657, %dma_wait3A_661] : memref<10x1x64xi32, #tpu.memory_space<vmem>> -> memref<1x1x64xi32, #tpu.memory_space<vmem>>
    %dma_wait3A_663 = tpu.memref_squeeze %dma_wait3A_662 : memref<1x1x64xi32, #tpu.memory_space<vmem>> -> memref<64xi32, #tpu.memory_space<vmem>>
    %dma_wait3A_664 = arith.constant 0 : i32
    %dma_wait3A_665 = arith.constant 0 : i32
    %dma_wait3A_666 = tpu.memref_slice %arg3[%dma_wait3A_664, %dma_wait3A_665] : memref<180224x128xf32, #tpu.memory_space<hbm>> -> memref<180224x128xf32, #tpu.memory_space<hbm>>
    tpu.wait_indirect_dma semaphore(%arg7 : memref<!tpu.dma_semaphore, #tpu.memory_space<semaphore_mem>>) src(%dma_wait3A_666 : memref<180224x128xf32, #tpu.memory_space<hbm>>) dst(%dma_wait3A_660 : memref<64x128xf32, #tpu.memory_space<vmem>>)
    %dma_wait3A_667 = arith.constant 7 : i32
    %dma_wait3A_668 = arith.constant 0 : i32
    %dma_wait3A_669 = arith.constant 0 : i32
    %dma_wait3A_670 = arith.constant 0 : i32
    %dma_wait3A_671 = tpu.memref_slice %arg5[%dma_wait3A_669, %dma_wait3A_670] : memref<64x128xf32, #tpu.memory_space<vmem>> -> memref<64x128xf32, #tpu.memory_space<vmem>>
    %dma_wait3A_672 = arith.constant 0 : i32
    %dma_wait3A_673 = tpu.memref_slice %arg6[%dma_wait3A_667, %dma_wait3A_668, %dma_wait3A_672] : memref<10x1x64xi32, #tpu.memory_space<vmem>> -> memref<1x1x64xi32, #tpu.memory_space<vmem>>
    %dma_wait3A_674 = tpu.memref_squeeze %dma_wait3A_673 : memref<1x1x64xi32, #tpu.memory_space<vmem>> -> memref<64xi32, #tpu.memory_space<vmem>>
    %dma_wait3A_675 = arith.constant 0 : i32
    %dma_wait3A_676 = arith.constant 0 : i32
    %dma_wait3A_677 = tpu.memref_slice %arg3[%dma_wait3A_675, %dma_wait3A_676] : memref<180224x128xf32, #tpu.memory_space<hbm>> -> memref<180224x128xf32, #tpu.memory_space<hbm>>
    tpu.wait_indirect_dma semaphore(%arg7 : memref<!tpu.dma_semaphore, #tpu.memory_space<semaphore_mem>>) src(%dma_wait3A_677 : memref<180224x128xf32, #tpu.memory_space<hbm>>) dst(%dma_wait3A_671 : memref<64x128xf32, #tpu.memory_space<vmem>>)
    %dma_wait3A_678 = arith.constant 8 : i32
    %dma_wait3A_679 = arith.constant 0 : i32
    %dma_wait3A_680 = arith.constant 0 : i32
    %dma_wait3A_681 = arith.constant 0 : i32
    %dma_wait3A_682 = tpu.memref_slice %arg5[%dma_wait3A_680, %dma_wait3A_681] : memref<64x128xf32, #tpu.memory_space<vmem>> -> memref<64x128xf32, #tpu.memory_space<vmem>>
    %dma_wait3A_683 = arith.constant 0 : i32
    %dma_wait3A_684 = tpu.memref_slice %arg6[%dma_wait3A_678, %dma_wait3A_679, %dma_wait3A_683] : memref<10x1x64xi32, #tpu.memory_space<vmem>> -> memref<1x1x64xi32, #tpu.memory_space<vmem>>
    %dma_wait3A_685 = tpu.memref_squeeze %dma_wait3A_684 : memref<1x1x64xi32, #tpu.memory_space<vmem>> -> memref<64xi32, #tpu.memory_space<vmem>>
    %dma_wait3A_686 = arith.constant 0 : i32
    %dma_wait3A_687 = arith.constant 0 : i32
    %dma_wait3A_688 = tpu.memref_slice %arg3[%dma_wait3A_686, %dma_wait3A_687] : memref<180224x128xf32, #tpu.memory_space<hbm>> -> memref<180224x128xf32, #tpu.memory_space<hbm>>
    tpu.wait_indirect_dma semaphore(%arg7 : memref<!tpu.dma_semaphore, #tpu.memory_space<semaphore_mem>>) src(%dma_wait3A_688 : memref<180224x128xf32, #tpu.memory_space<hbm>>) dst(%dma_wait3A_682 : memref<64x128xf32, #tpu.memory_space<vmem>>)
    %dma_wait3A_689 = arith.constant 9 : i32
    %dma_wait3A_690 = arith.constant 0 : i32
    %dma_wait3A_691 = arith.constant 0 : i32
    %dma_wait3A_692 = arith.constant 0 : i32
    %dma_wait3A_693 = tpu.memref_slice %arg5[%dma_wait3A_691, %dma_wait3A_692] : memref<64x128xf32, #tpu.memory_space<vmem>> -> memref<64x128xf32, #tpu.memory_space<vmem>>
    %dma_wait3A_694 = arith.constant 0 : i32
    %dma_wait3A_695 = tpu.memref_slice %arg6[%dma_wait3A_689, %dma_wait3A_690, %dma_wait3A_694] : memref<10x1x64xi32, #tpu.memory_space<vmem>> -> memref<1x1x64xi32, #tpu.memory_space<vmem>>
    %dma_wait3A_696 = tpu.memref_squeeze %dma_wait3A_695 : memref<1x1x64xi32, #tpu.memory_space<vmem>> -> memref<64xi32, #tpu.memory_space<vmem>>
    %dma_wait3A_697 = arith.constant 0 : i32
    %dma_wait3A_698 = arith.constant 0 : i32
    %dma_wait3A_699 = tpu.memref_slice %arg3[%dma_wait3A_697, %dma_wait3A_698] : memref<180224x128xf32, #tpu.memory_space<hbm>> -> memref<180224x128xf32, #tpu.memory_space<hbm>>
    tpu.wait_indirect_dma semaphore(%arg7 : memref<!tpu.dma_semaphore, #tpu.memory_space<semaphore_mem>>) src(%dma_wait3A_699 : memref<180224x128xf32, #tpu.memory_space<hbm>>) dst(%dma_wait3A_693 : memref<64x128xf32, #tpu.memory_space<vmem>>)
    "tpu.region"() ({
      %run_scoped3A = tpu.sem_alloc : memref<!tpu.dma_semaphore, #tpu.memory_space<semaphore_mem>>
      %dma_start3A_700 = arith.constant 0 : i32
      %dma_start3A_701 = tpu.memref_slice %arg4[%mul3A_0, %dma_start3A_700] : memref<1024x128xf32, #tpu.memory_space<hbm>> -> memref<64x128xf32, #tpu.memory_space<hbm>>
      %dma_start3A_702 = arith.constant 0 : i32
      %dma_start3A_703 = tpu.memref_slice %arg4[%mul3A_0, %dma_start3A_702] : memref<1024x128xf32, #tpu.memory_space<hbm>> -> memref<64x128xf32, #tpu.memory_space<hbm>>
      tpu.enqueue_dma source(%arg5 : memref<64x128xf32, #tpu.memory_space<vmem>>) target(%dma_start3A_703 : memref<64x128xf32, #tpu.memory_space<hbm>>) target_semaphore(%run_scoped3A : memref<!tpu.dma_semaphore, #tpu.memory_space<semaphore_mem>>)
      %dma_wait3A_704 = arith.constant 0 : i32
      %dma_wait3A_705 = tpu.memref_slice %arg4[%mul3A_0, %dma_wait3A_704] : memref<1024x128xf32, #tpu.memory_space<hbm>> -> memref<64x128xf32, #tpu.memory_space<hbm>>
      %dma_wait3A_706 = arith.constant 0 : i32
      %dma_wait3A_707 = tpu.memref_slice %arg4[%mul3A_0, %dma_wait3A_706] : memref<1024x128xf32, #tpu.memory_space<hbm>> -> memref<64x128xf32, #tpu.memory_space<hbm>>
      tpu.wait_dma2 semaphore(%run_scoped3A : memref<!tpu.dma_semaphore, #tpu.memory_space<semaphore_mem>>) src(%arg5 : memref<64x128xf32, #tpu.memory_space<vmem>>) dst(%dma_wait3A_707 : memref<64x128xf32, #tpu.memory_space<hbm>>)
      tpu.yield
    }) : () -> ()
    return
  }
}

module attributes {stable_mosaic.version = 14 : i64} {
  func.func @_tc_body(%arg0: i32, %arg1: memref<1024x128xf32, #tpu.memory_space<vmem>>, %arg2: memref<10x1024x128xf32, #tpu.memory_space<vmem>>, %arg3: memref<1024x128xf32, #tpu.memory_space<vmem>>) attributes {dimension_semantics = [#tpu.dimension_semantics<arbitrary>], iteration_bounds = array<i64: 15>, scalar_prefetch = 0 : i64, scratch_operands = 0 : i64, tpu.core_type = #tpu.core_type<tc>, window_params = [{transform_indices = @transform_0, window_bounds = array<i64: 1024, 128>}, {transform_indices = @transform_1, window_bounds = array<i64: 10, 1024, 128>}, {transform_indices = @transform_2, window_bounds = array<i64: 1024, 128>}]} {
    %get3A = arith.constant 0 : index
    %get3A_0 = arith.constant 0 : index
    %get3A_1 = vector.load %arg1[%get3A, %get3A_0] : memref<1024x128xf32, #tpu.memory_space<vmem>>, vector<1024x128xf32>
    %get3A_2 = arith.constant 0 : index
    %get3A_3 = arith.constant 0 : index
    %get3A_4 = arith.constant 0 : index
    %get3A_5 = vector.load %arg2[%get3A_2, %get3A_3, %get3A_4] : memref<10x1024x128xf32, #tpu.memory_space<vmem>>, vector<10x1024x128xf32>
    %reduce_sum3A = arith.constant dense<0.000000e+00> : vector<1024x128xf32>
    %reduce_sum3A_6 = vector.multi_reduction <add>, %get3A_5, %reduce_sum3A [0] : vector<10x1024x128xf32> to vector<1024x128xf32>
    %add3A = arith.addf %get3A_1, %reduce_sum3A_6 : vector<1024x128xf32>
    %swap3A = arith.constant 0 : index
    %swap3A_7 = arith.constant 0 : index
    %swap3A_8 = vector.load %arg3[%swap3A, %swap3A_7] : memref<1024x128xf32, #tpu.memory_space<vmem>>, vector<1024x128xf32>
    tpu.vector_store %arg3[%swap3A, %swap3A_7], %add3A {strides = array<i32>} : memref<1024x128xf32, #tpu.memory_space<vmem>>, vector<1024x128xf32>,
    return
  }
  func.func @transform_0(%arg0: i32) -> (i32, i32) {
    %c0_i32 = arith.constant 0 : i32
    %c0_i32_0 = arith.constant 0 : i32
    return %arg0, %c0_i32 : i32, i32
  }
  func.func @transform_1(%arg0: i32) -> (i32, i32, i32) {
    %c0_i32 = arith.constant 0 : i32
    %c0_i32_0 = arith.constant 0 : i32
    %c0_i32_1 = arith.constant 0 : i32
    return %c0_i32, %arg0, %c0_i32_0 : i32, i32, i32
  }
  func.func @transform_2(%arg0: i32) -> (i32, i32) {
    %c0_i32 = arith.constant 0 : i32
    %c0_i32_0 = arith.constant 0 : i32
    return %arg0, %c0_i32 : i32, i32
  }
}

module attributes {stable_mosaic.version = 14 : i64} {
  func.func @_merge_body(%arg0: i32, %arg1: memref<8x128xf32, #tpu.memory_space<vmem>>, %arg2: memref<512x128xf32, #tpu.memory_space<vmem>>, %arg3: memref<512x128xf32, #tpu.memory_space<vmem>>) attributes {dimension_semantics = [#tpu.dimension_semantics<arbitrary>], iteration_bounds = array<i64: 2>, scalar_prefetch = 0 : i64, scratch_operands = 0 : i64, tpu.core_type = #tpu.core_type<tc>, window_params = [{transform_indices = @transform_0, window_bounds = array<i64: 8, 128>}, {transform_indices = @transform_1, window_bounds = array<i64: 512, 128>}, {transform_indices = @transform_2, window_bounds = array<i64: 512, 128>}]} {
    %get3A = arith.constant 0 : index
    %get3A_0 = arith.constant 0 : index
    %get3A_1 = vector.load %arg2[%get3A, %get3A_0] : memref<512x128xf32, #tpu.memory_space<vmem>>, vector<512x128xf32>
    %swap3A = arith.constant 0 : index
    %swap3A_2 = arith.constant 0 : index
    %swap3A_3 = vector.load %arg3[%swap3A, %swap3A_2] : memref<512x128xf32, #tpu.memory_space<vmem>>, vector<512x128xf32>
    tpu.vector_store %arg3[%swap3A, %swap3A_2], %get3A_1 {strides = array<i32>} : memref<512x128xf32, #tpu.memory_space<vmem>>, vector<512x128xf32>,
    return
  }
  func.func @transform_0(%arg0: i32) -> (i32, i32) {
    %c0_i32 = arith.constant 0 : i32
    %c0_i32_0 = arith.constant 0 : i32
    %c0_i32_1 = arith.constant 0 : i32
    return %c0_i32, %c0_i32_0 : i32, i32
  }
  func.func @transform_1(%arg0: i32) -> (i32, i32) {
    %c0_i32 = arith.constant 0 : i32
    %c0_i32_0 = arith.constant 0 : i32
    return %arg0, %c0_i32 : i32, i32
  }
  func.func @transform_2(%arg0: i32) -> (i32, i32) {
    %add3A = arith.constant 30 : i32
    %add3A_0 = arith.addi %add3A, %arg0 : i32
    %c0_i32 = arith.constant 0 : i32
    %c0_i32_1 = arith.constant 0 : i32
    return %add3A_0, %c0_i32 : i32, i32
  }
}

</mosaic_0001>

<sc_bundles>
// kernel: kernel.5.cloned.1.call-start
scs
__scs_entry_jumppad:
0x0: {  	(pc) =	sbr.rel $0x88, $3  }
0x1: {  	(tag) =	ssettag $0x0;
	lr =	simm.s32 $0x1  }
0x2: {  	[smem:$0x3F9F] =	sst lr;
	_ =	strace $0xD0000000  }
0x3: {  	_ = 	snop  }
0x4: {  	_ = 	snop  }
0x5: {  	_ = 	snop  }
0x6: {  	_ = 	snop  }
0x7: {  	_ = 	snop  }
__scs_overlays_trampoline_lowered:
0x8: {  	[smem:$0x3FAE] =	sst s0  }
0x9: {  	[smem:$0x3FAF] =	sst s1  }
0xa: {  	[smem:$0x3FB0] =	sst s2  }
0xb: {  	[smem:$0x3FB1] =	sst s3  }
0xc: {  	[smem:$0x3FB2] =	sst s4  }
0xd: {  	[smem:$0x3FB3] =	sst s5  }
0xe: {  	[smem:$0x3FB4] =	sst s6  }
0xf: {  	[smem:$0x3FB5] =	sst s7  }
0x10: {  	[smem:$0x3FB6] =	sst s8  }
0x11: {  	[smem:$0x3FB7] =	sst s9;
	s0 =	simm.s32 @!p0 $0x0  }
0x12: {  	s1 =	sld [smem:$0x3F9D];
	s0 =	simm.s32 @p0 $0x1  }
0x13: {  	[smem:$0x3FB8] =	sst s0;
	s0 =	simm.s32 @!p1 $0x0  }
0x14: {  	s2 =	sld [smem:$0x3F9C];
	s0 =	simm.s32 @p1 $0x1  }
0x15: {  	[smem:$0x3FB9] =	sst s0;
	s0 =	simm.s32 @!p2 $0x0  }
0x16: {  	s3 =	sld [smem:$0x3FDB];
	s0 =	simm.s32 @p2 $0x1  }
0x17: {  	s4 =	simm.s32 $0x1BF5;
	[smem:$0x3FBB] =	sst s0  }
0x18: {  	s0 =	sld [smem:$0x3F9E];
	_ =	swait.ge [sflag:s4], $0x0  }
0x19: {  	s7 =	sld [smem:$0x3F9F]  }
0x1a: {  	s8 =	sadd.s32 $0xFFFFE003, lr  }
0x1b: {  	s9 =	sadd.s32 $0xFFFFFEF7, lr;
	s5 =	simm.s32 $0xFFFFFFFF;
	p2 =	slt.u32 s8, $0xFFFFF086  }
0x1c: {  	p1 =	slt.u32 s9, $0xF7A;
	s5 =	simm.s32 @!p2 $0x0  }
0x1d: {  	s5 =	simm.s32 @p1 $0x1;
	p0 =	seq.s32 s7, s2  }
0x1e: {  	s7 =	smul.u32 @!p0 $0xF7A, s2;
	p2 =	seq.s32 @!p0 s5, $0x0  }
0x1f: {  	s9 =	smul.u32 $0xF7A, s1;
	s8 =	simm.s32 @!p0 $0x1BF5;
	p2 =	por !p2, p0  }
0x20: {  	[sflag:s8] =	ssyncset.s32 @!p0 $0xFFFFF086;
	s6 =	sadd.s32 @!p0 s3, s7;
	s7 =	simm.s32 @!p0 $0x108  }
0x21: {  	s3 =	sadd.s32 s3, s9;
	s6 =	sadd.s32 @!p0 $0x88, s6;
	s7 =	simm.s32 @p2 $0x1082  }
0x22: {  	[simem:s7], [sflag:s8] =	dma.local @!p0 [hbm:s6], $0xF7A  }
0x23: {  	s9 =	sor.u32 $0xD0000000, s2;
	s6 =	simm.s32 $0x108;
	_ =	swait.ge @!p0 [sflag:s8], $0x0  }
0x24: {  	s3 =	sadd.s32 $0x88, s3;
	s6 =	simm.s32 @!p1 $0x1082;
	[sflag:s4] =	ssyncset.s32 $0xFFFFF086  }
0x25: {  	[simem:s6], [sflag:s4] =	dma.local [hbm:s3], $0xF7A  }
0x26: {  	[smem:$0x3F9F] =	sst s1;
	(tag) =	ssettag s2;
	_ =	strace s9  }
0x27: {  	s1 =	sld [smem:$0x3FAF]  }
0x28: {  	s2 =	sld [smem:$0x3FB0]  }
0x29: {  	s4 =	sld [smem:$0x3FB2]  }
0x2a: {  	p0 =	seq.s32 s5, $0x0;
	s5 =	sld [smem:$0x3FB3]  }
0x2b: {  	s6 =	sld [smem:$0x3FB4]  }
0x2c: {  	s7 =	sld [smem:$0x3FB5]  }
0x2d: {  	s3 =	simm.s32 $0x108;
	s8 =	sld [smem:$0x3FB6]  }
0x2e: {  	s3 =	simm.s32 @!p0 $0x1082;
	s9 =	sld [smem:$0x3FB7]  }
0x2f: {  	lr =	sadd.s32 s0, s3;
	s0 =	sld [smem:$0x3FAE]  }
0x30: {  	s3 =	sld [smem:$0x3FB1]  }
0x31: {  	[smem:$0x3FBA] =	sst s10  }
0x32: {  	s10 =	sld [smem:$0x3FB8];
	_ =	sdelay $0x3  }
0x33: {  	p0 =	seq.s32 s10, $0x1;
	s10 =	sld [smem:$0x3FBA];
	_ =	sdelay $0x3  }
0x34: {  	[smem:$0x3FBA] =	sst s10  }
0x35: {  	s10 =	sld [smem:$0x3FB9];
	_ =	sdelay $0x3  }
0x36: {  	p1 =	seq.s32 s10, $0x1;
	s10 =	sld [smem:$0x3FBA];
	_ =	sdelay $0x3  }
0x37: {  	[smem:$0x3FBA] =	sst s10  }
0x38: {  	s10 =	sld [smem:$0x3FBB]  }
0x39: {  	_ = 	snop;
	(pc) =	sbr.ind lr, $3  }
0x3a: {  	_ = 	snop  }
0x3b: {  	_ = 	snop  }
0x3c: {  	p2 =	seq.s32 s10, $0x1;
	s10 =	sld [smem:$0x3FBA]  }
0x3d: {  	_ =	shalt  }
0x3e: {  	_ =	shalt  }
0x3f: {  	_ =	shalt  }
0x40: {  	_ =	shalt  }
0x41: {  	_ =	shalt  }
0x42: {  	_ =	shalt  }
0x43: {  	_ =	shalt  }
0x44: {  	_ =	shalt  }
0x45: {  	_ =	shalt  }
0x46: {  	_ =	shalt  }
0x47: {  	_ =	shalt  }
0x48: {  	_ =	shalt  }
0x49: {  	_ =	shalt  }
0x4a: {  	_ =	shalt  }
0x4b: {  	_ =	shalt  }
0x4c: {  	_ =	shalt  }
0x4d: {  	_ =	shalt  }
0x4e: {  	_ =	shalt  }
0x4f: {  	_ =	shalt  }
0x50: {  	_ =	shalt  }
0x51: {  	_ =	shalt  }
0x52: {  	_ =	shalt  }
0x53: {  	_ =	shalt  }
0x54: {  	_ =	shalt  }
0x55: {  	_ =	shalt  }
0x56: {  	_ =	shalt  }
0x57: {  	_ =	shalt  }
0x58: {  	_ =	shalt  }
0x59: {  	_ =	shalt  }
0x5a: {  	_ =	shalt  }
0x5b: {  	_ =	shalt  }
0x5c: {  	_ =	shalt  }
0x5d: {  	_ =	shalt  }
0x5e: {  	_ =	shalt  }
0x5f: {  	_ =	shalt  }
0x60: {  	_ =	shalt  }
0x61: {  	_ =	shalt  }
0x62: {  	_ =	shalt  }
0x63: {  	_ =	shalt  }
0x64: {  	_ =	shalt  }
0x65: {  	_ =	shalt  }
0x66: {  	_ =	shalt  }
0x67: {  	_ =	shalt  }
0x68: {  	_ =	shalt  }
0x69: {  	_ =	shalt  }
0x6a: {  	_ =	shalt  }
0x6b: {  	_ =	shalt  }
0x6c: {  	_ =	shalt  }
0x6d: {  	_ =	shalt  }
0x6e: {  	_ =	shalt  }
0x6f: {  	_ =	shalt  }
0x70: {  	_ =	shalt  }
0x71: {  	_ =	shalt  }
0x72: {  	_ =	shalt  }
0x73: {  	_ =	shalt  }
0x74: {  	_ =	shalt  }
0x75: {  	_ =	shalt  }
0x76: {  	_ =	shalt  }
0x77: {  	_ =	shalt  }
0x78: {  	_ =	shalt  }
0x79: {  	_ =	shalt  }
0x7a: {  	_ =	shalt  }
0x7b: {  	_ =	shalt  }
0x7c: {  	_ =	shalt  }
0x7d: {  	_ =	shalt  }
0x7e: {  	_ =	shalt  }
0x7f: {  	_ =	shalt  }
0x80: {  	_ =	shalt  }
0x81: {  	_ =	shalt  }
0x82: {  	_ =	shalt  }
0x83: {  	_ =	shalt  }
0x84: {  	_ =	shalt  }
0x85: {  	_ =	shalt  }
0x86: {  	_ =	shalt  }
0x87: {  	_ =	shalt  }
.Lfunc_end0:
.L_simem_size_0:
called_computation_lowered:
.L_overlay_start_0:
0x88: {  	s0 =	sld [smem:$0x3FD9]  }
0x89: {  	s1 =	sld [smem:$0x3FFE];
	_ =	sdelay $0x3  }
0x8a: {  	s0 =	sadd.s32 s1, s0  }
0x8b: {  	[smem:$0x3FC6] =	sst s0  }
0x8c: {  	_ = 	snop  }
0x8d: {  	s0 =	sld [smem:$0x3FC9]  }
0x8e: {  	s16 =	sld [smem:$0x3FC8];
	(tm) =	ssettm $0x1  }
0x8f: {  	s2 =	sld [smem:$0x3FFB];
	_ =	sdelay $0x3  }
0x90: {  	_ =	strace s2  }
0x91: {  	s2 =	sld [smem:$0x3FFC];
	_ =	sdelay $0x3  }
0x92: {  	_ =	strace s2  }
0x93: {  	s2 =	sld [smem:$0x3FFD];
	_ =	sdelay $0x3  }
0x94: {  	_ =	strace s2  }
0x95: {  	_ =	strace $0x8FFFFFFF  }
0x96: {  	s17 =	sld [smem:$0x3FDB];
	_ =	sdelay $0x1  }
0x97: {  	s3 =	simm.s32 $_scs_section_size  }
0x98: {  	s4 =	simm.s32 $_size__tile_overlayer_lowered;
	s5 =	simm.s32 $_tile_overlayer_lowered  }
0x99: {  	s20 =	simm.s32 $0x1BFF;
	s19 =	sshll.u32 s5, $0x1;
	s2 =	sadd.s32 s3, s17  }
0x9a: {  	s6 =	simm.s32 $0x0;
	s18 =	sshll.u32 s4, $0x1;
	s4 =	sadd.s32 s19, s2  }
0x9b: {  	[timem:s6], [sflag:s20] =	dma.local [hbm:s4], s18  }
0x9c: {  	_ =	swait.ge [sflag:s20], s18  }
0x9d: {  	s3 =	ssub.s32 $0x0, s18;
	[sflag:s20] =	ssyncset.done $0x0  }
0x9e: {  	[sflag:s20] =	ssyncadd.s32 s3;
	_ =	sdelay $0x1  }
0x9f: {  	s21 =	simm.s32 $0x1B8B  }
0xa0: {  	_ =	swait.ge [sflag:s21], $0x1  }
0xa1: {  	[sflag:s21] =	ssyncset.done $0x0  }
0xa2: {  	s23 =	simm.s32 $0x1B8E;
	s22 =	sld [smem:$0x3FFE];
	[sflag:s21] =	ssyncadd.s32 $0xFFFFFFFF  }
0xa3: {  	s24 =	simm.s32 $execute0_lowered;
	[smem:$0x3FD2] =	sst s23  }
0xa4: {  	s4 =	sshll.u32 s24, $0x1;
	_ =	strace $0x80000046;
	[dreg:$0x1] =	wrdreg $0xFFFFFFFF  }
0xa5: {  	s25 =	simm.s32 $_size_execute0_lowered;
	s2 =	sadd.s32 s2, s4;
	[dreg:$0x0] =	wrdreg $0x0  }
0xa6: {  	s4 =	sshll.u32 s25, $0x1;
	[dreg:$0x2] =	wrdreg s2  }
0xa7: {  	[dreg:$0x3] =	wrdreg s4  }
0xa8: {  	[dreg:$0x4] =	wrdreg $0xC0  }
0xa9: {  	_ =	task [dreg:s6], $0x5FFFF  }
0xaa: {  	[dreg:$0x1] =	wrdreg $0xFFFFFFFF  }
0xab: {  	[dreg:$0x0] =	wrdreg $0x60  }
0xac: {  	[dreg:$0x2] =	wrdreg s0  }
0xad: {  	[dreg:$0x3] =	wrdreg s16  }
0xae: {  	[dreg:$0x4] =	wrdreg s22  }
0xaf: {  	[dreg:$0x5] =	wrdreg $0x9  }
0xb0: {  	_ =	task.clear_ibuf [dreg:s6], $0x6FFFF;
	_ =	strace $0x90000046  }
0xb1: {  	s26 =	simm.s32 $0x9;
	_ =	strace $0x80000048  }
0xb2: {  	_ =	swait.ge [sflag:s26], $0x1  }
0xb3: {  	[sflag:s26] =	ssyncadd.s32 $0xFFFFFFFF  }
0xb4: {  	_ =	strace $0x90000048  }
0xb5: {  	_ =	sfence  }
0xb6: {  	s28 =	sld [smem:$0x0];
	_ =	sdelay $0x1  }
0xb7: {  	s29 =	srdreg.scid  }
0xb8: {  	s30 =	sshll.u32 s29, $0xD;
	s31 =	sshrl.u32 s29, $0x2  }
0xb9: {  	s1 =	sand.u32 $0x1, s29;
	s2 =	sand.u32 $0x4000, s30;
	s0 =	sadd.s32 s31, s28  }
0xba: {  	s1 =	sor.u32 s2, s1;
	s0 =	sshll.u32 s0, $0x11  }
0xbb: {  	s0 =	sor.u32 s0, s1  }
0xbc: {  	s0 =	sadd.s32 $0x8F2B, s0  }
0xbd: {  	[sflag:s0] =	ssyncadd.remote.s32 $0x1  }
0xbe: {  	_ =	sfence.sel $0xFFFF  }
0xbf: {  	[dreg:$0x0] =	wrdreg $0xFFFFFFFF;
	(pc) =	sbr.abs _section_cstart, $3  }
0xc0: {  	[dreg:$0x1] =	wrdreg $0xFFFFFFFF  }
0xc1: {  	_ =	task.clear_ibuf [dreg:s6], $0x2FFFF;
	_ =	strace $0x9FFFFFFF  }
0xc2: {  	(tm) =	ssettm $0x7FFFFFFF  }
0xc3: {  	_ =	shalt  }
tec
execute0_lowered:
.L_overlay_start_1:
0x0: {  	(tag) =	ssettag $0x1  }
0x1: {  	s5 =	rddreg [dreg:$0x0];
	s1 =	stileid.u32  }
0x2: {  	s4 =	rddreg [dreg:$0x1];
	s7 =	sshll.u32 s1, $0x6  }
0x3: {  	s3 =	rddreg [dreg:$0x2];
	s2 =	simm.s32 $0x0;
	v0 =	vlaneseq.u32;
	s6 =	sor.u32 $0x3C00, s7  }
0x4: {  	[smem:$0x7FF] =	sst s2;
	s8 =	sor.u32 $0x3C10, s7;
	v1 =	vor.u32 s6, v0  }
0x5: {  	s0 =	rddreg [dreg:$0x3];
	_ =	strace $0x80000047;
	s24 =	sor.u32 $0x3C20, s7;
	v2 =	vor.u32 s8, v0;
	[tilespmem:$0x2000] =	vst v1  }
0x6: {  	s25 =	sor.u32 $0x3C30, s7;
	v27 =	vor.u32 s24, v0;
	[tilespmem:$0x2010] =	vst v2  }
0x7: {  	s26 =	sor.u32 $0x7C00, s7;
	v28 =	vor.u32 s25, v0;
	[tilespmem:$0x2020] =	vst v27  }
0x8: {  	s28 =	sor.u32 $0x7C10, s7;
	v29 =	vor.u32 s26, v0;
	[tilespmem:$0x2030] =	vst v28  }
0x9: {  	s29 =	sor.u32 $0x7C20, s7;
	v30 =	vor.u32 s28, v0;
	[tilespmem:$0x2080] =	vst v29  }
0xa: {  	s30 =	sor.u32 $0x7C30, s7;
	v31 =	vor.u32 s29, v0;
	[tilespmem:$0x2090] =	vst v30  }
0xb: {  	s31 =	sor.u32 $0xBC00, s7;
	v32 =	vor.u32 s30, v0;
	[tilespmem:$0x20A0] =	vst v31  }
0xc: {  	s9 =	sor.u32 $0xBC10, s7;
	v33 =	vor.u32 s31, v0;
	[tilespmem:$0x20B0] =	vst v32  }
0xd: {  	s10 =	sor.u32 $0xBC20, s7;
	v34 =	vor.u32 s9, v0;
	[tilespmem:$0x2100] =	vst v33  }
0xe: {  	s11 =	sor.u32 $0xBC30, s7;
	v35 =	vor.u32 s10, v0;
	[tilespmem:$0x2110] =	vst v34  }
0xf: {  	s12 =	sor.u32 $0xFC00, s7;
	v36 =	vor.u32 s11, v0;
	[tilespmem:$0x2120] =	vst v35  }
0x10: {  	s13 =	sor.u32 $0xFC10, s7;
	v37 =	vor.u32 s12, v0;
	[tilespmem:$0x2130] =	vst v36  }
0x11: {  	s14 =	sor.u32 $0xFC20, s7;
	v38 =	vor.u32 s13, v0;
	[tilespmem:$0x2180] =	vst v37  }
0x12: {  	s15 =	sor.u32 $0xFC30, s7;
	v39 =	vor.u32 s14, v0;
	[tilespmem:$0x2190] =	vst v38  }
0x13: {  	s16 =	sor.u32 $0x13C00, s7;
	v40 =	vor.u32 s15, v0;
	[tilespmem:$0x21A0] =	vst v39  }
0x14: {  	s17 =	sor.u32 $0x13C10, s7;
	v41 =	vor.u32 s16, v0;
	[tilespmem:$0x21B0] =	vst v40  }
0x15: {  	s18 =	sor.u32 $0x13C20, s7;
	v42 =	vor.u32 s17, v0;
	[tilespmem:$0x2200] =	vst v41  }
0x16: {  	s19 =	sor.u32 $0x13C30, s7;
	v43 =	vor.u32 s18, v0;
	[tilespmem:$0x2210] =	vst v42  }
0x17: {  	s20 =	sor.u32 $0x17C00, s7;
	v44 =	vor.u32 s19, v0;
	[tilespmem:$0x2220] =	vst v43  }
0x18: {  	s21 =	sor.u32 $0x17C10, s7;
	v45 =	vor.u32 s20, v0;
	[tilespmem:$0x2230] =	vst v44  }
0x19: {  	s22 =	sor.u32 $0x17C20, s7;
	v46 =	vor.u32 s21, v0;
	[tilespmem:$0x2280] =	vst v45  }
0x1a: {  	s23 =	sor.u32 $0x17C30, s7;
	v47 =	vor.u32 s22, v0;
	[tilespmem:$0x2290] =	vst v46  }
0x1b: {  	v48 =	vor.u32 s23, v0;
	s24 =	sor.u32 $0x1BC00, s7;
	[tilespmem:$0x22A0] =	vst v47  }
0x1c: {  	s25 =	sor.u32 $0x1BC10, s7;
	v49 =	vor.u32 s24, v0;
	[tilespmem:$0x22B0] =	vst v48  }
0x1d: {  	s26 =	sor.u32 $0x1BC20, s7;
	v50 =	vor.u32 s25, v0;
	[tilespmem:$0x2300] =	vst v49  }
0x1e: {  	s28 =	sor.u32 $0x1BC30, s7;
	v51 =	vor.u32 s26, v0;
	[tilespmem:$0x2310] =	vst v50  }
0x1f: {  	s29 =	sor.u32 $0x1FC00, s7;
	v52 =	vor.u32 s28, v0;
	[tilespmem:$0x2320] =	vst v51  }
0x20: {  	s30 =	sor.u32 $0x1FC10, s7;
	v53 =	vor.u32 s29, v0;
	[tilespmem:$0x2330] =	vst v52  }
0x21: {  	s31 =	sor.u32 $0x1FC20, s7;
	v54 =	vor.u32 s30, v0;
	[tilespmem:$0x2380] =	vst v53  }
0x22: {  	s9 =	sor.u32 $0x1FC30, s7;
	v55 =	vor.u32 s31, v0;
	[tilespmem:$0x2390] =	vst v54  }
0x23: {  	s10 =	sor.u32 $0x23C00, s7;
	v56 =	vor.u32 s9, v0;
	[tilespmem:$0x23A0] =	vst v55  }
0x24: {  	s11 =	sor.u32 $0x23C10, s7;
	v57 =	vor.u32 s10, v0;
	[tilespmem:$0x23B0] =	vst v56  }
0x25: {  	s12 =	sor.u32 $0x23C20, s7;
	v58 =	vor.u32 s11, v0;
	[tilespmem:$0x2400] =	vst v57  }
0x26: {  	s13 =	sor.u32 $0x23C30, s7;
	v59 =	vor.u32 s12, v0;
	[tilespmem:$0x2410] =	vst v58  }
0x27: {  	s14 =	sor.u32 $0x27C00, s7;
	v60 =	vor.u32 s13, v0;
	[tilespmem:$0x2420] =	vst v59  }
0x28: {  	s15 =	sor.u32 $0x27C10, s7;
	v61 =	vor.u32 s14, v0;
	[tilespmem:$0x2430] =	vst v60  }
0x29: {  	s16 =	sor.u32 $0x27C20, s7;
	v62 =	vor.u32 s15, v0;
	[tilespmem:$0x2480] =	vst v61  }
0x2a: {  	s7 =	sor.u32 $0x27C30, s7;
	v63 =	vor.u32 s16, v0;
	[tilespmem:$0x2490] =	vst v62  }
0x2b: {  	s6 =	sshll.u32 s6, $0x4;
	v0 =	vor.u32 s7, v0;
	[tilespmem:$0x24A0] =	vst v63  }
0x2c: {  	s17 =	simm.s32 $0x2;
	s5 =	sadd.s32 s5, s6;
	[tilespmem:$0x24B0] =	vst v0  }
0x2d: {  	[tilespmem:s2], [sflag:$0x2] =	stream.linear.gather [hbm4b:s5+s2], $0x2000, $0x38;
	[tilespmem:$0x2500] =	vst v63  }
0x2e: {  	_ =	swait.ge [sflag:s17], $0x2000  }
0x2f: {  	[sflag:s17] =	ssyncset.done $0x0  }
0x30: {  	s18 =	simm.s32 $0x40;
	s19 =	simm.s32 $0x2000;
	[sflag:s17] =	ssyncadd.s32 $0xFFFFE000  }
0x31: {  	[tilespmem:s2], [sflag:$0x1] =	stream.indirect.gather.add.f32 [hbm:s4], $0x80, s19, s18, $0xb8;
	[tilespmem:$0x2500] =	vst v63  }
0x32: {  	s20 =	simm.s32 $0x2080  }
0x33: {  	[tilespmem:s2], [sflag:$0x1] =	stream.indirect.gather.add.f32 [hbm:s4], $0x80, s20, s18, $0xb8;
	[tilespmem:$0x2500] =	vst v63  }
0x34: {  	s21 =	simm.s32 $0x2100  }
0x35: {  	[tilespmem:s2], [sflag:$0x1] =	stream.indirect.gather.add.f32 [hbm:s4], $0x80, s21, s18, $0xb8;
	[tilespmem:$0x2500] =	vst v63  }
0x36: {  	s22 =	simm.s32 $0x2180  }
0x37: {  	[tilespmem:s2], [sflag:$0x1] =	stream.indirect.gather.add.f32 [hbm:s4], $0x80, s22, s18, $0xb8;
	[tilespmem:$0x2500] =	vst v63  }
0x38: {  	s23 =	simm.s32 $0x2200  }
0x39: {  	[tilespmem:s2], [sflag:$0x1] =	stream.indirect.gather.add.f32 [hbm:s4], $0x80, s23, s18, $0xb8;
	[tilespmem:$0x2500] =	vst v63  }
0x3a: {  	s24 =	simm.s32 $0x2280  }
0x3b: {  	[tilespmem:s2], [sflag:$0x1] =	stream.indirect.gather.add.f32 [hbm:s4], $0x80, s24, s18, $0xb8;
	[tilespmem:$0x2500] =	vst v63  }
0x3c: {  	s25 =	simm.s32 $0x2300  }
0x3d: {  	[tilespmem:s2], [sflag:$0x1] =	stream.indirect.gather.add.f32 [hbm:s4], $0x80, s25, s18, $0xb8;
	[tilespmem:$0x2500] =	vst v63  }
0x3e: {  	s26 =	simm.s32 $0x2380  }
0x3f: {  	[tilespmem:s2], [sflag:$0x1] =	stream.indirect.gather.add.f32 [hbm:s4], $0x80, s26, s18, $0xb8;
	[tilespmem:$0x2500] =	vst v63  }
0x40: {  	s28 =	simm.s32 $0x2400  }
0x41: {  	[tilespmem:s2], [sflag:$0x1] =	stream.indirect.gather.add.f32 [hbm:s4], $0x80, s28, s18, $0xb8;
	[tilespmem:$0x2500] =	vst v63  }
0x42: {  	s29 =	simm.s32 $0x2480;
	s30 =	simm.s32 $0x1  }
0x43: {  	[tilespmem:s2], [sflag:$0x1] =	stream.indirect.gather.add.f32 [hbm:s4], $0x80, s29, s18, $0xb8;
	[tilespmem:$0x2500] =	vst v63  }
0x44: {  	_ =	swait.ge [sflag:s30], $0x2000  }
0x45: {  	[sflag:s30] =	ssyncset.done $0x0  }
0x46: {  	[sflag:s30] =	ssyncadd.s32 $0xFFFFE000  }
0x47: {  	_ =	swait.ge [sflag:s30], $0x2000  }
0x48: {  	[sflag:s30] =	ssyncset.done $0x0  }
0x49: {  	[sflag:s30] =	ssyncadd.s32 $0xFFFFE000  }
0x4a: {  	_ =	swait.ge [sflag:s30], $0x2000  }
0x4b: {  	[sflag:s30] =	ssyncset.done $0x0  }
0x4c: {  	[sflag:s30] =	ssyncadd.s32 $0xFFFFE000  }
0x4d: {  	_ =	swait.ge [sflag:s30], $0x2000  }
0x4e: {  	[sflag:s30] =	ssyncset.done $0x0  }
0x4f: {  	[sflag:s30] =	ssyncadd.s32 $0xFFFFE000  }
0x50: {  	_ =	swait.ge [sflag:s30], $0x2000  }
0x51: {  	[sflag:s30] =	ssyncset.done $0x0  }
0x52: {  	[sflag:s30] =	ssyncadd.s32 $0xFFFFE000  }
0x53: {  	_ =	swait.ge [sflag:s30], $0x2000  }
0x54: {  	[sflag:s30] =	ssyncset.done $0x0  }
0x55: {  	[sflag:s30] =	ssyncadd.s32 $0xFFFFE000  }
0x56: {  	_ =	swait.ge [sflag:s30], $0x2000  }
0x57: {  	[sflag:s30] =	ssyncset.done $0x0  }
0x58: {  	[sflag:s30] =	ssyncadd.s32 $0xFFFFE000  }
0x59: {  	_ =	swait.ge [sflag:s30], $0x2000  }
0x5a: {  	[sflag:s30] =	ssyncset.done $0x0  }
0x5b: {  	[sflag:s30] =	ssyncadd.s32 $0xFFFFE000  }
0x5c: {  	_ =	swait.ge [sflag:s30], $0x2000  }
0x5d: {  	[sflag:s30] =	ssyncset.done $0x0  }
0x5e: {  	[sflag:s30] =	ssyncadd.s32 $0xFFFFE000  }
0x5f: {  	s31 =	sshll.u32 s1, $0xA;
	_ =	swait.ge [sflag:s30], $0x2000  }
0x60: {  	s3 =	sadd.s32 s31, s3;
	[sflag:s30] =	ssyncset.done $0x0  }
0x61: {  	s3 =	sadd.s32 $0x800, s3;
	[sflag:s30] =	ssyncadd.s32 $0xFFFFE000  }
0x62: {  	[hbm4b:s3+s2] =	stream.linear.scatter [tilespmem:s2], [sflag:$0x2], $0x2000, $0x38;
	[tilespmem:$0x2500] =	vst v63  }
0x63: {  	_ =	swait.ge [sflag:s17], $0x2000  }
0x64: {  	[sflag:s17] =	ssyncset.done $0x0  }
0x65: {  	[sflag:s17] =	ssyncadd.s32 $0xFFFFE000  }
0x66: {  	_ =	sfence.sel $0x180000  }
0x67: {  	[bflag:$0x0] =	sbarrier.arrive $0xFFFF  }
0x68: {  	p0 =	sne.s32 s1, $0x0;
	_ =	strace $0x90000047  }
0x69: {  	s0 =	sadd.s32 @!p0 $0x100000, s0;
	[bflag:$0x2] =	sbarrier.arrive $0xFFFF  }
0x6a: {  	[sflag:s0] =	ssyncadd.tile.s32 @!p0 $0x1;
	_ =	shalt  }
.Lfunc_end2:
_tile_overlayer_lowered:
.L_overlay_start_2:
0x6b: {  	(tag) =	ssettag $0x2  }
0x6c: {  	s0 =	rddreg [dreg:$0x0];
	s2 =	stileid.u32  }
0x6d: {  	s1 =	rddreg [dreg:$0x1];
	p0 =	sne.s32 s2, $0x0  }
0x6e: {  	s3 =	rddreg [dreg:$0x2];
	[bflag:$0x3] =	sbarrier.arrive $0xFFFF;
	s2 =	simm.s32 @!p0 $0x1C02  }
0x6f: {  	[timem:s3], [sflag:s2] =	dma.local @!p0 [hbm:s0], s1  }
0x70: {  	s0 =	simm.s32 @!p0 $0x2  }
0x71: {  	_ =	swait.ge @!p0 [sflag:s0], s1  }
0x72: {  	s1 =	ssub.s32 @!p0 $0x0, s1;
	[sflag:s0] =	ssyncset.done @!p0 $0x0  }
0x73: {  	[sflag:s0] =	ssyncadd.s32 @!p0 s1  }
0x74: {  	[bflag:$0x3] =	sbarrier.arrive $0xFFFF  }
0x75: {  	_ =	shalt  }

</sc_bundles>
